<compile_context>
chip_gen: v7x
topology: tpu7x:2x2x1
jax: 0.10.2.dev20260603
libtpu: 0.0.44.dev20260713+nightly
codegen_flags: <defaults>
</compile_context>

<pallas_src>
import functools

import jax
import jax.numpy as jnp
from jax import lax
from jax.experimental import pallas as pl
from jax.experimental.pallas import tpu as pltpu
from jax.experimental.pallas import tpu_sc as plsc

NC = 2
NS = 16
NW = NC * NS
K = 128


def _sc_mesh():
    return plsc.VectorSubcoreMesh(
        core_axis_name="c", subcore_axis_name="s", num_cores=NC, num_subcores=NS
    )


def _make_histogram(n_pad, nchunk):
    zchunk = n_pad // NS

    @functools.partial(
        pl.kernel,
        out_type=jax.ShapeDtypeStruct((NC, n_pad), jnp.float32),
        mesh=_sc_mesh(),
        scratch_types=[
            pltpu.VMEM((nchunk, K), jnp.int32),
            pltpu.VMEM((K,), jnp.float32),
            pltpu.VMEM((zchunk,), jnp.float32),
            pltpu.VMEM_SHARED((n_pad,), jnp.float32),
        ],
    )
    def hist(dst_hbm, deg_out, dst_v, ones_v, zb, bins):
        c = lax.axis_index("c")
        s = lax.axis_index("s")
        w = c * NS + s
        pltpu.sync_copy(dst_hbm.at[w], dst_v)

        one16 = jnp.ones((16,), jnp.float32)
        for jj in range(K // 16):
            ones_v[pl.ds(jj * 16, 16)] = one16
        z16 = jnp.zeros((16,), jnp.float32)

        def zbody(i, carry):
            zb[pl.ds(i * 16, 16)] = z16
            return carry

        lax.fori_loop(0, zchunk // 16, zbody, 0)
        pltpu.sync_copy(zb, bins.at[pl.ds(s * zchunk, zchunk)])
        plsc.subcore_barrier()

        def body(j, carry):
            pltpu.sync_copy(ones_v, bins.at[dst_v.at[j]], add=True)
            return carry

        lax.fori_loop(0, nchunk, body, 0)
        plsc.subcore_barrier()

        @pl.when(s == 0)
        def _():
            pltpu.sync_copy(bins, deg_out.at[c])

    return hist


def _make_scatter(n_pad, d, nchunk, npass):
    rows_per_tile = n_pad // NS
    cpp = nchunk // npass
    assert cpp * npass == nchunk and cpp % 2 == 0

    @functools.partial(
        pl.kernel,
        out_type=jax.ShapeDtypeStruct((NC, n_pad, d), jnp.float32),
        mesh=_sc_mesh(),
        scratch_types=[
            pltpu.VMEM((cpp, K), jnp.int32),
            pltpu.VMEM((cpp, K), jnp.int32),
            pltpu.VMEM((K, d), jnp.float32),
            pltpu.VMEM((K, d), jnp.float32),
            pltpu.VMEM_SHARED((n_pad, d), jnp.float32),
            pltpu.SemaphoreType.DMA,
            pltpu.SemaphoreType.DMA,
        ],
    )
    def scat(g_hbm, src_hbm, dst_hbm, zeros_hbm, s_out, src_v, dst_v, buf0,
             buf1, acc, sem0, sem1):
        c = lax.axis_index("c")
        s = lax.axis_index("s")
        w = c * NS + s
        row0 = s * rows_per_tile
        pltpu.sync_copy(zeros_hbm, acc.at[pl.ds(row0, rows_per_tile)])
        plsc.subcore_barrier()

        for p in range(npass):
            pltpu.sync_copy(src_hbm.at[w, pl.ds(p * cpp, cpp)], src_v)
            pltpu.sync_copy(dst_hbm.at[w, pl.ds(p * cpp, cpp)], dst_v)
            pltpu.async_copy(g_hbm.at[src_v.at[0]], buf0, sem0)
            pltpu.async_copy(g_hbm.at[src_v.at[1]], buf1, sem1)

            def body(jj, carry):
                j0 = 2 * jj
                pltpu.make_async_copy(g_hbm.at[src_v.at[j0]], buf0, sem0).wait()
                pltpu.sync_copy(buf0, acc.at[dst_v.at[j0]], add=True)

                @pl.when(j0 + 2 < cpp)
                def _():
                    pltpu.async_copy(g_hbm.at[src_v.at[j0 + 2]], buf0, sem0)

                pltpu.make_async_copy(
                    g_hbm.at[src_v.at[j0 + 1]], buf1, sem1).wait()
                pltpu.sync_copy(buf1, acc.at[dst_v.at[j0 + 1]], add=True)

                @pl.when(j0 + 3 < cpp)
                def _():
                    pltpu.async_copy(g_hbm.at[src_v.at[j0 + 3]], buf1, sem1)

                return carry

            lax.fori_loop(0, cpp // 2, body, 0)
        plsc.subcore_barrier()
        pltpu.sync_copy(
            acc.at[pl.ds(row0, rows_per_tile)],
            s_out.at[c, pl.ds(row0, rows_per_tile)],
        )

    return scat


def _make_ln_mm_body(n, rb):
    def body(x_ref, wt_ref, gam_ref, bet_ref, deg_ref, g_ref):
        i = pl.program_id(0)
        xb = x_ref[...]
        mu = jnp.mean(xb, axis=1, keepdims=True)
        xc = xb - mu
        var = jnp.mean(xc * xc, axis=1, keepdims=True)
        gate = xc * lax.rsqrt(var + 1e-5) * gam_ref[...] + bet_ref[...]
        h = jnp.dot(gate, wt_ref[...], preferred_element_type=jnp.float32)
        deg = deg_ref[0, 0, :] + deg_ref[0, 1, :] + 2.0
        g = h * lax.rsqrt(deg)[:, None]
        row = i * rb + lax.broadcasted_iota(jnp.int32, (rb, 1), 0)
        g_ref[0, :, :] = jnp.where(row < n, g, 0.0)

    return body


def _finish_body(s_ref, g_ref, deg_ref, b_ref, x_ref, o_ref):
    deg = deg_ref[0, 0, :] + deg_ref[0, 1, :] + 2.0
    dinv = lax.rsqrt(deg)[:, None]
    s0 = s_ref[0, 0]
    s1 = s_ref[1, 0]
    g = g_ref[0]
    agg = (s0 + s1 + 2.0 * g) * dinv + b_ref[...]
    o_ref[...] = jnp.tanh(agg) * x_ref[...]




def kernel(x, edge_index, gamma, beta, W, b):
    n, d = x.shape
    e = edge_index.shape[1]
    nchunk = 4 * (-(-e // (NW * K * 4)))
    e_pad = NW * nchunk * K
    n_hist = -(-n // 256) * 256
    n_acc = -(-n // 2048) * 2048

    ppt = (e_pad - e) // NW
    ept = e // NW
    src_r = edge_index[0].reshape(NW, ept)
    dst_r = edge_index[1].reshape(NW, ept)
    pad_src = jnp.full((NW, ppt), n, jnp.int32)
    pad_dst = (jnp.arange(NW * ppt, dtype=jnp.int32) * 37 % n).reshape(NW, ppt)
    src = jnp.concatenate([src_r, pad_src], axis=1).reshape(NW, nchunk, K)
    dst = jnp.concatenate([dst_r, pad_dst], axis=1).reshape(NW, nchunk, K)
    dst_h = jnp.concatenate(
        [dst_r, jnp.full((NW, ppt), n, jnp.int32)], axis=1
    ).reshape(NW, nchunk, K)

    deg2 = _make_histogram(n_hist, nchunk)(dst_h)[:, :n]

    rb = n_acc // 16
    nb = 16
    x_p = jnp.pad(x, ((0, n_acc - n), (0, 0)))
    deg2p = jnp.pad(deg2, ((0, 0), (0, n_acc - n)), constant_values=1.0)
    deg3 = jnp.swapaxes(deg2p.reshape(NC, nb, rb), 0, 1)

    g = pl.pallas_call(
        _make_ln_mm_body(n, rb),
        grid=(nb,),
        in_specs=[
            pl.BlockSpec((rb, d), lambda i: (i, 0)),
            pl.BlockSpec((d, d), lambda i: (0, 0)),
            pl.BlockSpec((1, d), lambda i: (0, 0)),
            pl.BlockSpec((1, d), lambda i: (0, 0)),
            pl.BlockSpec((1, NC, rb), lambda i: (i, 0, 0)),
        ],
        out_specs=pl.BlockSpec((1, rb, d), lambda i: (i, 0, 0)),
        out_shape=jax.ShapeDtypeStruct((nb, rb, d), jnp.float32),
    )(x_p, W.T, gamma.reshape(1, d), beta.reshape(1, d), deg3)

    zeros_in = jnp.zeros((n_acc // NS, d), jnp.float32)
    s_parts = _make_scatter(n_acc, d, nchunk, 2)(
        g.reshape(n_acc, d), src, dst, zeros_in)
    s4 = s_parts.reshape(NC, nb, rb, d)

    out = pl.pallas_call(
        _finish_body,
        grid=(nb,),
        in_specs=[
            pl.BlockSpec((NC, 1, rb, d), lambda i: (0, i, 0, 0)),
            pl.BlockSpec((1, rb, d), lambda i: (i, 0, 0)),
            pl.BlockSpec((1, NC, rb), lambda i: (i, 0, 0)),
            pl.BlockSpec((1, d), lambda i: (0, 0)),
            pl.BlockSpec((rb, d), lambda i: (i, 0)),
        ],
        out_specs=pl.BlockSpec((rb, d), lambda i: (i, 0)),
        out_shape=jax.ShapeDtypeStruct((n_acc, d), jnp.float32),
    )(s4, g, deg3, b.reshape(1, d), x_p)
    return out[:n]

# --- scband reference (transcript-rebuilt; emitter-appended) ---
"""Pipeline reference for scband-spatial-gating-unit-35897336660176 (READ-ONLY COPY).

The authoritative reference and input builder live on the scoring server;
editing this copy changes nothing except your own understanding.
"""

import jax, jax.numpy as jnp
import numpy as np

N = 10000
E = 320000
D = 128

def setup_inputs(seed: int = 0) -> dict:
    key = jax.random.key(seed)
    k1, k2, k3 = jax.random.split(key, 3)
    x = jax.random.normal(k1, (N, D), dtype=jnp.float32)
    edge_index = jax.random.randint(k2, (2, E), 0, N, dtype=jnp.int32)
    eps = 0.001 / D
    W = jax.random.uniform(k3, (D, D), minval=-eps, maxval=eps, dtype=jnp.float32)  # gcn.lin.weight [out, in]
    gamma = jnp.ones((D,), dtype=jnp.float32)   # LayerNorm weight
    beta = jnp.zeros((D,), dtype=jnp.float32)   # LayerNorm bias
    b = jnp.ones((D,), dtype=jnp.float32)       # gcn.bias (init to 1.0 per reset_parameters)
    return {"x": x, "edge_index": edge_index, "gamma": gamma, "beta": beta, "W": W, "b": b}

def reference(x, edge_index, gamma, beta, W, b):
    # LayerNorm
    mu = jnp.mean(x, axis=-1, keepdims=True)
    var = jnp.mean((x - mu) ** 2, axis=-1, keepdims=True)
    gate = (x - mu) / jnp.sqrt(var + 1e-5) * gamma + beta
    # GCNConv(improved=True): linear transform
    h = gate @ W.T
    # add self-loops with fill value 2.0 (improved)
    loop = jnp.arange(N, dtype=edge_index.dtype)
    src = jnp.concatenate([edge_index[0], loop])
    dst = jnp.concatenate([edge_index[1], loop])
    ew = jnp.concatenate([jnp.ones((E,), jnp.float32), 2.0 * jnp.ones((N,), jnp.float32)])
    # symmetric normalization: deg over target nodes
    deg = jax.ops.segment_sum(ew, dst, num_segments=N)
    dinv = jnp.where(deg > 0, 1.0 / jnp.sqrt(deg), 0.0)
    norm = dinv[src] * ew * dinv[dst]
    # message passing: gather from src, scatter-add to dst
    msg = h[src] * norm[:, None]
    agg = jax.ops.segment_sum(msg, dst, num_segments=N) + b
    gate2 = jnp.tanh(agg)
    return gate2 * x

if __name__ == "__main__":
    import jax
    _d = setup_inputs()
    print(jax.jit(kernel)(*tuple(_d.values())))

</pallas_src>

<mosaic_0001>
#map = affine_map<(d0, d1) -> (0, 0)>
#map1 = affine_map<(d0, d1) -> (0, 0, 0)>
module attributes {stable_mosaic.version = 14 : i64} {
  func.func @scat(%arg0: i32, %arg1: i32, %arg2: memref<10240x128xf32, #tpu.memory_space<hbm>>, %arg3: memref<32x80x128xi32, #tpu.memory_space<hbm>>, %arg4: memref<32x80x128xi32, #tpu.memory_space<hbm>>, %arg5: memref<640x128xf32, #tpu.memory_space<hbm>>, %arg6: memref<2x10240x128xf32, #tpu.memory_space<hbm>>, %arg7: memref<40x128xi32, #tpu.memory_space<vmem>>, %arg8: memref<40x128xi32, #tpu.memory_space<vmem>>, %arg9: memref<128x128xf32, #tpu.memory_space<vmem>>, %arg10: memref<128x128xf32, #tpu.memory_space<vmem>>, %arg11: memref<10240x128xf32, #tpu.memory_space<vmem_shared>>, %arg12: memref<!tpu.dma_semaphore, #tpu.memory_space<semaphore_mem>>, %arg13: memref<!tpu.dma_semaphore, #tpu.memory_space<semaphore_mem>>) attributes {dimension_semantics = [#tpu.dimension_semantics<core_parallel>, #tpu.dimension_semantics<subcore_parallel>], iteration_bounds = array<i64: 2, 16>, scalar_prefetch = 0 : i64, scratch_operands = 7 : i64, tpu.core_type = #tpu.core_type<sc_vector_subcore>, window_params = [{transform_indices = #map}, {transform_indices = #map1}, {transform_indices = #map1}, {transform_indices = #map}, {transform_indices = #map1}]} {
    %mul3A = arith.constant 16 : i32
    %mul3A_0 = arith.muli %arg0, %mul3A : i32
    %add3A = arith.addi %mul3A_0, %arg1 : i32
    %mul3A_1 = arith.constant 640 : i32
    %mul3A_2 = arith.muli %arg1, %mul3A_1 : i32
    "tpu.region"() ({
      %run_scoped3A = tpu.sem_alloc : memref<!tpu.dma_semaphore, #tpu.memory_space<semaphore_mem>>
      %dma_start3A_42 = arith.constant 0 : i32
      %dma_start3A_43 = tpu.memref_slice %arg11[%mul3A_2, %dma_start3A_42] : memref<10240x128xf32, #tpu.memory_space<vmem_shared>> -> memref<640x128xf32, #tpu.memory_space<vmem_shared>>
      tpu.enqueue_dma source(%arg5 : memref<640x128xf32, #tpu.memory_space<hbm>>) target(%dma_start3A_43 : memref<640x128xf32, #tpu.memory_space<vmem_shared>>) target_semaphore(%run_scoped3A : memref<!tpu.dma_semaphore, #tpu.memory_space<semaphore_mem>>)
      %dma_wait3A = arith.constant 0 : i32
      %dma_wait3A_44 = tpu.memref_slice %arg11[%mul3A_2, %dma_wait3A] : memref<10240x128xf32, #tpu.memory_space<vmem_shared>> -> memref<640x128xf32, #tpu.memory_space<vmem_shared>>
      tpu.wait_dma2 semaphore(%run_scoped3A : memref<!tpu.dma_semaphore, #tpu.memory_space<semaphore_mem>>) src(%arg5 : memref<640x128xf32, #tpu.memory_space<hbm>>) dst(%dma_wait3A_44 : memref<640x128xf32, #tpu.memory_space<vmem_shared>>)
      tpu.yield
    }) : () -> ()
    %barrier3A = arith.constant 0 : index
    tpu.barrier barrier_id(%barrier3A)
    "tpu.region"() ({
      %run_scoped3A = tpu.sem_alloc : memref<!tpu.dma_semaphore, #tpu.memory_space<semaphore_mem>>
      %dma_start3A_42 = arith.constant 0 : i32
      %dma_start3A_43 = arith.constant 0 : i32
      %dma_start3A_44 = tpu.memref_slice %arg3[%add3A, %dma_start3A_42, %dma_start3A_43] : memref<32x80x128xi32, #tpu.memory_space<hbm>> -> memref<1x40x128xi32, #tpu.memory_space<hbm>>
      %dma_start3A_45 = tpu.memref_squeeze %dma_start3A_44 : memref<1x40x128xi32, #tpu.memory_space<hbm>> -> memref<40x128xi32, #tpu.memory_space<hbm>>
      %dma_start3A_46 = arith.constant 0 : i32
      %dma_start3A_47 = arith.constant 0 : i32
      %dma_start3A_48 = tpu.memref_slice %arg3[%add3A, %dma_start3A_46, %dma_start3A_47] : memref<32x80x128xi32, #tpu.memory_space<hbm>> -> memref<1x40x128xi32, #tpu.memory_space<hbm>>
      %dma_start3A_49 = tpu.memref_squeeze %dma_start3A_48 : memref<1x40x128xi32, #tpu.memory_space<hbm>> -> memref<40x128xi32, #tpu.memory_space<hbm>>
      tpu.enqueue_dma source(%dma_start3A_49 : memref<40x128xi32, #tpu.memory_space<hbm>>) target(%arg7 : memref<40x128xi32, #tpu.memory_space<vmem>>) target_semaphore(%run_scoped3A : memref<!tpu.dma_semaphore, #tpu.memory_space<semaphore_mem>>)
      %dma_wait3A = arith.constant 0 : i32
      %dma_wait3A_50 = arith.constant 0 : i32
      %dma_wait3A_51 = tpu.memref_slice %arg3[%add3A, %dma_wait3A, %dma_wait3A_50] : memref<32x80x128xi32, #tpu.memory_space<hbm>> -> memref<1x40x128xi32, #tpu.memory_space<hbm>>
      %dma_wait3A_52 = tpu.memref_squeeze %dma_wait3A_51 : memref<1x40x128xi32, #tpu.memory_space<hbm>> -> memref<40x128xi32, #tpu.memory_space<hbm>>
      %dma_wait3A_53 = arith.constant 0 : i32
      %dma_wait3A_54 = arith.constant 0 : i32
      %dma_wait3A_55 = tpu.memref_slice %arg3[%add3A, %dma_wait3A_53, %dma_wait3A_54] : memref<32x80x128xi32, #tpu.memory_space<hbm>> -> memref<1x40x128xi32, #tpu.memory_space<hbm>>
      %dma_wait3A_56 = tpu.memref_squeeze %dma_wait3A_55 : memref<1x40x128xi32, #tpu.memory_space<hbm>> -> memref<40x128xi32, #tpu.memory_space<hbm>>
      tpu.wait_dma2 semaphore(%run_scoped3A : memref<!tpu.dma_semaphore, #tpu.memory_space<semaphore_mem>>) src(%dma_wait3A_56 : memref<40x128xi32, #tpu.memory_space<hbm>>) dst(%arg7 : memref<40x128xi32, #tpu.memory_space<vmem>>)
      tpu.yield
    }) : () -> ()
    "tpu.region"() ({
      %run_scoped3A = tpu.sem_alloc : memref<!tpu.dma_semaphore, #tpu.memory_space<semaphore_mem>>
      %dma_start3A_42 = arith.constant 0 : i32
      %dma_start3A_43 = arith.constant 0 : i32
      %dma_start3A_44 = tpu.memref_slice %arg4[%add3A, %dma_start3A_42, %dma_start3A_43] : memref<32x80x128xi32, #tpu.memory_space<hbm>> -> memref<1x40x128xi32, #tpu.memory_space<hbm>>
      %dma_start3A_45 = tpu.memref_squeeze %dma_start3A_44 : memref<1x40x128xi32, #tpu.memory_space<hbm>> -> memref<40x128xi32, #tpu.memory_space<hbm>>
      %dma_start3A_46 = arith.constant 0 : i32
      %dma_start3A_47 = arith.constant 0 : i32
      %dma_start3A_48 = tpu.memref_slice %arg4[%add3A, %dma_start3A_46, %dma_start3A_47] : memref<32x80x128xi32, #tpu.memory_space<hbm>> -> memref<1x40x128xi32, #tpu.memory_space<hbm>>
      %dma_start3A_49 = tpu.memref_squeeze %dma_start3A_48 : memref<1x40x128xi32, #tpu.memory_space<hbm>> -> memref<40x128xi32, #tpu.memory_space<hbm>>
      tpu.enqueue_dma source(%dma_start3A_49 : memref<40x128xi32, #tpu.memory_space<hbm>>) target(%arg8 : memref<40x128xi32, #tpu.memory_space<vmem>>) target_semaphore(%run_scoped3A : memref<!tpu.dma_semaphore, #tpu.memory_space<semaphore_mem>>)
      %dma_wait3A = arith.constant 0 : i32
      %dma_wait3A_50 = arith.constant 0 : i32
      %dma_wait3A_51 = tpu.memref_slice %arg4[%add3A, %dma_wait3A, %dma_wait3A_50] : memref<32x80x128xi32, #tpu.memory_space<hbm>> -> memref<1x40x128xi32, #tpu.memory_space<hbm>>
      %dma_wait3A_52 = tpu.memref_squeeze %dma_wait3A_51 : memref<1x40x128xi32, #tpu.memory_space<hbm>> -> memref<40x128xi32, #tpu.memory_space<hbm>>
      %dma_wait3A_53 = arith.constant 0 : i32
      %dma_wait3A_54 = arith.constant 0 : i32
      %dma_wait3A_55 = tpu.memref_slice %arg4[%add3A, %dma_wait3A_53, %dma_wait3A_54] : memref<32x80x128xi32, #tpu.memory_space<hbm>> -> memref<1x40x128xi32, #tpu.memory_space<hbm>>
      %dma_wait3A_56 = tpu.memref_squeeze %dma_wait3A_55 : memref<1x40x128xi32, #tpu.memory_space<hbm>> -> memref<40x128xi32, #tpu.memory_space<hbm>>
      tpu.wait_dma2 semaphore(%run_scoped3A : memref<!tpu.dma_semaphore, #tpu.memory_space<semaphore_mem>>) src(%dma_wait3A_56 : memref<40x128xi32, #tpu.memory_space<hbm>>) dst(%arg8 : memref<40x128xi32, #tpu.memory_space<vmem>>)
      tpu.yield
    }) : () -> ()
    %dma_start3A = arith.constant 0 : i32
    %dma_start3A_3 = arith.constant 0 : i32
    %dma_start3A_4 = tpu.memref_slice %arg7[%dma_start3A, %dma_start3A_3] : memref<40x128xi32, #tpu.memory_space<vmem>> -> memref<1x128xi32, #tpu.memory_space<vmem>>
    %dma_start3A_5 = tpu.memref_squeeze %dma_start3A_4 : memref<1x128xi32, #tpu.memory_space<vmem>> -> memref<128xi32, #tpu.memory_space<vmem>>
    %dma_start3A_6 = arith.constant 0 : i32
    %dma_start3A_7 = arith.constant 0 : i32
    %dma_start3A_8 = tpu.memref_slice %arg2[%dma_start3A_6, %dma_start3A_7] : memref<10240x128xf32, #tpu.memory_space<hbm>> -> memref<10240x128xf32, #tpu.memory_space<hbm>>
    tpu.enqueue_indirect_dma source(%dma_start3A_8 : memref<10240x128xf32, #tpu.memory_space<hbm>>) target(%arg9 : memref<128x128xf32, #tpu.memory_space<vmem>>) offsets(%dma_start3A_5 : memref<128xi32, #tpu.memory_space<vmem>>) semaphore(%arg12 : memref<!tpu.dma_semaphore, #tpu.memory_space<semaphore_mem>>)
    %dma_start3A_9 = arith.constant 1 : i32
    %dma_start3A_10 = arith.constant 0 : i32
    %dma_start3A_11 = tpu.memref_slice %arg7[%dma_start3A_9, %dma_start3A_10] : memref<40x128xi32, #tpu.memory_space<vmem>> -> memref<1x128xi32, #tpu.memory_space<vmem>>
    %dma_start3A_12 = tpu.memref_squeeze %dma_start3A_11 : memref<1x128xi32, #tpu.memory_space<vmem>> -> memref<128xi32, #tpu.memory_space<vmem>>
    %dma_start3A_13 = arith.constant 0 : i32
    %dma_start3A_14 = arith.constant 0 : i32
    %dma_start3A_15 = tpu.memref_slice %arg2[%dma_start3A_13, %dma_start3A_14] : memref<10240x128xf32, #tpu.memory_space<hbm>> -> memref<10240x128xf32, #tpu.memory_space<hbm>>
    tpu.enqueue_indirect_dma source(%dma_start3A_15 : memref<10240x128xf32, #tpu.memory_space<hbm>>) target(%arg10 : memref<128x128xf32, #tpu.memory_space<vmem>>) offsets(%dma_start3A_12 : memref<128xi32, #tpu.memory_space<vmem>>) semaphore(%arg13 : memref<!tpu.dma_semaphore, #tpu.memory_space<semaphore_mem>>)
    %scan3A = arith.constant 0 : i32
    %scan3A_16 = arith.constant 0 : i32
    %scan3A_17 = arith.constant 20 : i32
    %scan3A_18 = arith.addi %scan3A_16, %scan3A_17 : i32
    %scan3A_19 = arith.constant 1 : i32
    scf.for %scan3A_42 = %scan3A_16 to %scan3A_18 step %scan3A_19  : i32 {
      %mul3A_43 = arith.constant 2 : i32
      %mul3A_44 = arith.muli %mul3A_43, %scan3A_42 : i32
      %dma_wait3A = arith.constant 0 : i32
      %dma_wait3A_45 = tpu.memref_slice %arg7[%mul3A_44, %dma_wait3A] : memref<40x128xi32, #tpu.memory_space<vmem>> -> memref<1x128xi32, #tpu.memory_space<vmem>>
      %dma_wait3A_46 = tpu.memref_squeeze %dma_wait3A_45 : memref<1x128xi32, #tpu.memory_space<vmem>> -> memref<128xi32, #tpu.memory_space<vmem>>
      %dma_wait3A_47 = arith.constant 0 : i32
      %dma_wait3A_48 = arith.constant 0 : i32
      %dma_wait3A_49 = tpu.memref_slice %arg2[%dma_wait3A_47, %dma_wait3A_48] : memref<10240x128xf32, #tpu.memory_space<hbm>> -> memref<10240x128xf32, #tpu.memory_space<hbm>>
      tpu.wait_indirect_dma semaphore(%arg12 : memref<!tpu.dma_semaphore, #tpu.memory_space<semaphore_mem>>) src(%dma_wait3A_49 : memref<10240x128xf32, #tpu.memory_space<hbm>>) dst(%arg9 : memref<128x128xf32, #tpu.memory_space<vmem>>)
      "tpu.region"() ({
        %run_scoped3A = tpu.sem_alloc : memref<!tpu.dma_semaphore, #tpu.memory_space<semaphore_mem>>
        %dma_start3A_71 = arith.constant 0 : i32
        %dma_start3A_72 = tpu.memref_slice %arg8[%mul3A_44, %dma_start3A_71] : memref<40x128xi32, #tpu.memory_space<vmem>> -> memref<1x128xi32, #tpu.memory_space<vmem>>
        %dma_start3A_73 = tpu.memref_squeeze %dma_start3A_72 : memref<1x128xi32, #tpu.memory_space<vmem>> -> memref<128xi32, #tpu.memory_space<vmem>>
        %dma_start3A_74 = arith.constant 0 : i32
        %dma_start3A_75 = arith.constant 0 : i32
        %dma_start3A_76 = tpu.memref_slice %arg11[%dma_start3A_74, %dma_start3A_75] : memref<10240x128xf32, #tpu.memory_space<vmem_shared>> -> memref<10240x128xf32, #tpu.memory_space<vmem_shared>>
        tpu.enqueue_indirect_dma source(%arg9 : memref<128x128xf32, #tpu.memory_space<vmem>>) target(%dma_start3A_76 : memref<10240x128xf32, #tpu.memory_space<vmem_shared>>) offsets(%dma_start3A_73 : memref<128xi32, #tpu.memory_space<vmem>>) semaphore(%run_scoped3A : memref<!tpu.dma_semaphore, #tpu.memory_space<semaphore_mem>>) {add = true}
        %dma_wait3A_77 = arith.constant 0 : i32
        %dma_wait3A_78 = tpu.memref_slice %arg8[%mul3A_44, %dma_wait3A_77] : memref<40x128xi32, #tpu.memory_space<vmem>> -> memref<1x128xi32, #tpu.memory_space<vmem>>
        %dma_wait3A_79 = tpu.memref_squeeze %dma_wait3A_78 : memref<1x128xi32, #tpu.memory_space<vmem>> -> memref<128xi32, #tpu.memory_space<vmem>>
        %dma_wait3A_80 = arith.constant 0 : i32
        %dma_wait3A_81 = arith.constant 0 : i32
        %dma_wait3A_82 = tpu.memref_slice %arg11[%dma_wait3A_80, %dma_wait3A_81] : memref<10240x128xf32, #tpu.memory_space<vmem_shared>> -> memref<10240x128xf32, #tpu.memory_space<vmem_shared>>
        tpu.wait_indirect_dma semaphore(%run_scoped3A : memref<!tpu.dma_semaphore, #tpu.memory_space<semaphore_mem>>) src(%arg9 : memref<128x128xf32, #tpu.memory_space<vmem>>) dst(%dma_wait3A_82 : memref<10240x128xf32, #tpu.memory_space<vmem_shared>>)
        tpu.yield
      }) : () -> ()
      %add3A_50 = arith.constant 2 : i32
      %add3A_51 = arith.addi %mul3A_44, %add3A_50 : i32
      %lt3A = arith.constant 40 : i32
      %lt3A_52 = arith.cmpi slt, %add3A_51, %lt3A : i32
      %convert_element_type3A = arith.extui %lt3A_52 : i1 to i32
      %cond3A = arith.constant 0 : i32
      %cond3A_53 = arith.cmpi ne, %convert_element_type3A, %cond3A : i32
      scf.if %cond3A_53 {
        %add3A_71 = arith.constant 2 : i32
        %add3A_72 = arith.addi %mul3A_44, %add3A_71 : i32
        %dma_start3A_73 = arith.constant 0 : i32
        %dma_start3A_74 = tpu.memref_slice %arg7[%add3A_72, %dma_start3A_73] : memref<40x128xi32, #tpu.memory_space<vmem>> -> memref<1x128xi32, #tpu.memory_space<vmem>>
        %dma_start3A_75 = tpu.memref_squeeze %dma_start3A_74 : memref<1x128xi32, #tpu.memory_space<vmem>> -> memref<128xi32, #tpu.memory_space<vmem>>
        %dma_start3A_76 = arith.constant 0 : i32
        %dma_start3A_77 = arith.constant 0 : i32
        %dma_start3A_78 = tpu.memref_slice %arg2[%dma_start3A_76, %dma_start3A_77] : memref<10240x128xf32, #tpu.memory_space<hbm>> -> memref<10240x128xf32, #tpu.memory_space<hbm>>
        tpu.enqueue_indirect_dma source(%dma_start3A_78 : memref<10240x128xf32, #tpu.memory_space<hbm>>) target(%arg9 : memref<128x128xf32, #tpu.memory_space<vmem>>) offsets(%dma_start3A_75 : memref<128xi32, #tpu.memory_space<vmem>>) semaphore(%arg12 : memref<!tpu.dma_semaphore, #tpu.memory_space<semaphore_mem>>)
      } else {
      }
      %add3A_54 = arith.constant 1 : i32
      %add3A_55 = arith.addi %mul3A_44, %add3A_54 : i32
      %dma_wait3A_56 = arith.constant 0 : i32
      %dma_wait3A_57 = tpu.memref_slice %arg7[%add3A_55, %dma_wait3A_56] : memref<40x128xi32, #tpu.memory_space<vmem>> -> memref<1x128xi32, #tpu.memory_space<vmem>>
      %dma_wait3A_58 = tpu.memref_squeeze %dma_wait3A_57 : memref<1x128xi32, #tpu.memory_space<vmem>> -> memref<128xi32, #tpu.memory_space<vmem>>
      %dma_wait3A_59 = arith.constant 0 : i32
      %dma_wait3A_60 = arith.constant 0 : i32
      %dma_wait3A_61 = tpu.memref_slice %arg2[%dma_wait3A_59, %dma_wait3A_60] : memref<10240x128xf32, #tpu.memory_space<hbm>> -> memref<10240x128xf32, #tpu.memory_space<hbm>>
      tpu.wait_indirect_dma semaphore(%arg13 : memref<!tpu.dma_semaphore, #tpu.memory_space<semaphore_mem>>) src(%dma_wait3A_61 : memref<10240x128xf32, #tpu.memory_space<hbm>>) dst(%arg10 : memref<128x128xf32, #tpu.memory_space<vmem>>)
      %add3A_62 = arith.constant 1 : i32
      %add3A_63 = arith.addi %mul3A_44, %add3A_62 : i32
      "tpu.region"() ({
        %run_scoped3A = tpu.sem_alloc : memref<!tpu.dma_semaphore, #tpu.memory_space<semaphore_mem>>
        %dma_start3A_71 = arith.constant 0 : i32
        %dma_start3A_72 = tpu.memref_slice %arg8[%add3A_63, %dma_start3A_71] : memref<40x128xi32, #tpu.memory_space<vmem>> -> memref<1x128xi32, #tpu.memory_space<vmem>>
        %dma_start3A_73 = tpu.memref_squeeze %dma_start3A_72 : memref<1x128xi32, #tpu.memory_space<vmem>> -> memref<128xi32, #tpu.memory_space<vmem>>
        %dma_start3A_74 = arith.constant 0 : i32
        %dma_start3A_75 = arith.constant 0 : i32
        %dma_start3A_76 = tpu.memref_slice %arg11[%dma_start3A_74, %dma_start3A_75] : memref<10240x128xf32, #tpu.memory_space<vmem_shared>> -> memref<10240x128xf32, #tpu.memory_space<vmem_shared>>
        tpu.enqueue_indirect_dma source(%arg10 : memref<128x128xf32, #tpu.memory_space<vmem>>) target(%dma_start3A_76 : memref<10240x128xf32, #tpu.memory_space<vmem_shared>>) offsets(%dma_start3A_73 : memref<128xi32, #tpu.memory_space<vmem>>) semaphore(%run_scoped3A : memref<!tpu.dma_semaphore, #tpu.memory_space<semaphore_mem>>) {add = true}
        %dma_wait3A_77 = arith.constant 0 : i32
        %dma_wait3A_78 = tpu.memref_slice %arg8[%add3A_63, %dma_wait3A_77] : memref<40x128xi32, #tpu.memory_space<vmem>> -> memref<1x128xi32, #tpu.memory_space<vmem>>
        %dma_wait3A_79 = tpu.memref_squeeze %dma_wait3A_78 : memref<1x128xi32, #tpu.memory_space<vmem>> -> memref<128xi32, #tpu.memory_space<vmem>>
        %dma_wait3A_80 = arith.constant 0 : i32
        %dma_wait3A_81 = arith.constant 0 : i32
        %dma_wait3A_82 = tpu.memref_slice %arg11[%dma_wait3A_80, %dma_wait3A_81] : memref<10240x128xf32, #tpu.memory_space<vmem_shared>> -> memref<10240x128xf32, #tpu.memory_space<vmem_shared>>
        tpu.wait_indirect_dma semaphore(%run_scoped3A : memref<!tpu.dma_semaphore, #tpu.memory_space<semaphore_mem>>) src(%arg10 : memref<128x128xf32, #tpu.memory_space<vmem>>) dst(%dma_wait3A_82 : memref<10240x128xf32, #tpu.memory_space<vmem_shared>>)
        tpu.yield
      }) : () -> ()
      %add3A_64 = arith.constant 3 : i32
      %add3A_65 = arith.addi %mul3A_44, %add3A_64 : i32
      %lt3A_66 = arith.constant 40 : i32
      %lt3A_67 = arith.cmpi slt, %add3A_65, %lt3A_66 : i32
      %convert_element_type3A_68 = arith.extui %lt3A_67 : i1 to i32
      %cond3A_69 = arith.constant 0 : i32
      %cond3A_70 = arith.cmpi ne, %convert_element_type3A_68, %cond3A_69 : i32
      scf.if %cond3A_70 {
        %add3A_71 = arith.constant 3 : i32
        %add3A_72 = arith.addi %mul3A_44, %add3A_71 : i32
        %dma_start3A_73 = arith.constant 0 : i32
        %dma_start3A_74 = tpu.memref_slice %arg7[%add3A_72, %dma_start3A_73] : memref<40x128xi32, #tpu.memory_space<vmem>> -> memref<1x128xi32, #tpu.memory_space<vmem>>
        %dma_start3A_75 = tpu.memref_squeeze %dma_start3A_74 : memref<1x128xi32, #tpu.memory_space<vmem>> -> memref<128xi32, #tpu.memory_space<vmem>>
        %dma_start3A_76 = arith.constant 0 : i32
        %dma_start3A_77 = arith.constant 0 : i32
        %dma_start3A_78 = tpu.memref_slice %arg2[%dma_start3A_76, %dma_start3A_77] : memref<10240x128xf32, #tpu.memory_space<hbm>> -> memref<10240x128xf32, #tpu.memory_space<hbm>>
        tpu.enqueue_indirect_dma source(%dma_start3A_78 : memref<10240x128xf32, #tpu.memory_space<hbm>>) target(%arg10 : memref<128x128xf32, #tpu.memory_space<vmem>>) offsets(%dma_start3A_75 : memref<128xi32, #tpu.memory_space<vmem>>) semaphore(%arg13 : memref<!tpu.dma_semaphore, #tpu.memory_space<semaphore_mem>>)
      } else {
      }
    }
    %scan3A_20 = arith.constant 20 : i32
    "tpu.region"() ({
      %run_scoped3A = tpu.sem_alloc : memref<!tpu.dma_semaphore, #tpu.memory_space<semaphore_mem>>
      %dma_start3A_42 = arith.constant 40 : i32
      %dma_start3A_43 = arith.constant 0 : i32
      %dma_start3A_44 = tpu.memref_slice %arg3[%add3A, %dma_start3A_42, %dma_start3A_43] : memref<32x80x128xi32, #tpu.memory_space<hbm>> -> memref<1x40x128xi32, #tpu.memory_space<hbm>>
      %dma_start3A_45 = tpu.memref_squeeze %dma_start3A_44 : memref<1x40x128xi32, #tpu.memory_space<hbm>> -> memref<40x128xi32, #tpu.memory_space<hbm>>
      %dma_start3A_46 = arith.constant 40 : i32
      %dma_start3A_47 = arith.constant 0 : i32
      %dma_start3A_48 = tpu.memref_slice %arg3[%add3A, %dma_start3A_46, %dma_start3A_47] : memref<32x80x128xi32, #tpu.memory_space<hbm>> -> memref<1x40x128xi32, #tpu.memory_space<hbm>>
      %dma_start3A_49 = tpu.memref_squeeze %dma_start3A_48 : memref<1x40x128xi32, #tpu.memory_space<hbm>> -> memref<40x128xi32, #tpu.memory_space<hbm>>
      tpu.enqueue_dma source(%dma_start3A_49 : memref<40x128xi32, #tpu.memory_space<hbm>>) target(%arg7 : memref<40x128xi32, #tpu.memory_space<vmem>>) target_semaphore(%run_scoped3A : memref<!tpu.dma_semaphore, #tpu.memory_space<semaphore_mem>>)
      %dma_wait3A = arith.constant 40 : i32
      %dma_wait3A_50 = arith.constant 0 : i32
      %dma_wait3A_51 = tpu.memref_slice %arg3[%add3A, %dma_wait3A, %dma_wait3A_50] : memref<32x80x128xi32, #tpu.memory_space<hbm>> -> memref<1x40x128xi32, #tpu.memory_space<hbm>>
      %dma_wait3A_52 = tpu.memref_squeeze %dma_wait3A_51 : memref<1x40x128xi32, #tpu.memory_space<hbm>> -> memref<40x128xi32, #tpu.memory_space<hbm>>
      %dma_wait3A_53 = arith.constant 40 : i32
      %dma_wait3A_54 = arith.constant 0 : i32
      %dma_wait3A_55 = tpu.memref_slice %arg3[%add3A, %dma_wait3A_53, %dma_wait3A_54] : memref<32x80x128xi32, #tpu.memory_space<hbm>> -> memref<1x40x128xi32, #tpu.memory_space<hbm>>
      %dma_wait3A_56 = tpu.memref_squeeze %dma_wait3A_55 : memref<1x40x128xi32, #tpu.memory_space<hbm>> -> memref<40x128xi32, #tpu.memory_space<hbm>>
      tpu.wait_dma2 semaphore(%run_scoped3A : memref<!tpu.dma_semaphore, #tpu.memory_space<semaphore_mem>>) src(%dma_wait3A_56 : memref<40x128xi32, #tpu.memory_space<hbm>>) dst(%arg7 : memref<40x128xi32, #tpu.memory_space<vmem>>)
      tpu.yield
    }) : () -> ()
    "tpu.region"() ({
      %run_scoped3A = tpu.sem_alloc : memref<!tpu.dma_semaphore, #tpu.memory_space<semaphore_mem>>
      %dma_start3A_42 = arith.constant 40 : i32
      %dma_start3A_43 = arith.constant 0 : i32
      %dma_start3A_44 = tpu.memref_slice %arg4[%add3A, %dma_start3A_42, %dma_start3A_43] : memref<32x80x128xi32, #tpu.memory_space<hbm>> -> memref<1x40x128xi32, #tpu.memory_space<hbm>>
      %dma_start3A_45 = tpu.memref_squeeze %dma_start3A_44 : memref<1x40x128xi32, #tpu.memory_space<hbm>> -> memref<40x128xi32, #tpu.memory_space<hbm>>
      %dma_start3A_46 = arith.constant 40 : i32
      %dma_start3A_47 = arith.constant 0 : i32
      %dma_start3A_48 = tpu.memref_slice %arg4[%add3A, %dma_start3A_46, %dma_start3A_47] : memref<32x80x128xi32, #tpu.memory_space<hbm>> -> memref<1x40x128xi32, #tpu.memory_space<hbm>>
      %dma_start3A_49 = tpu.memref_squeeze %dma_start3A_48 : memref<1x40x128xi32, #tpu.memory_space<hbm>> -> memref<40x128xi32, #tpu.memory_space<hbm>>
      tpu.enqueue_dma source(%dma_start3A_49 : memref<40x128xi32, #tpu.memory_space<hbm>>) target(%arg8 : memref<40x128xi32, #tpu.memory_space<vmem>>) target_semaphore(%run_scoped3A : memref<!tpu.dma_semaphore, #tpu.memory_space<semaphore_mem>>)
      %dma_wait3A = arith.constant 40 : i32
      %dma_wait3A_50 = arith.constant 0 : i32
      %dma_wait3A_51 = tpu.memref_slice %arg4[%add3A, %dma_wait3A, %dma_wait3A_50] : memref<32x80x128xi32, #tpu.memory_space<hbm>> -> memref<1x40x128xi32, #tpu.memory_space<hbm>>
      %dma_wait3A_52 = tpu.memref_squeeze %dma_wait3A_51 : memref<1x40x128xi32, #tpu.memory_space<hbm>> -> memref<40x128xi32, #tpu.memory_space<hbm>>
      %dma_wait3A_53 = arith.constant 40 : i32
      %dma_wait3A_54 = arith.constant 0 : i32
      %dma_wait3A_55 = tpu.memref_slice %arg4[%add3A, %dma_wait3A_53, %dma_wait3A_54] : memref<32x80x128xi32, #tpu.memory_space<hbm>> -> memref<1x40x128xi32, #tpu.memory_space<hbm>>
      %dma_wait3A_56 = tpu.memref_squeeze %dma_wait3A_55 : memref<1x40x128xi32, #tpu.memory_space<hbm>> -> memref<40x128xi32, #tpu.memory_space<hbm>>
      tpu.wait_dma2 semaphore(%run_scoped3A : memref<!tpu.dma_semaphore, #tpu.memory_space<semaphore_mem>>) src(%dma_wait3A_56 : memref<40x128xi32, #tpu.memory_space<hbm>>) dst(%arg8 : memref<40x128xi32, #tpu.memory_space<vmem>>)
      tpu.yield
    }) : () -> ()
    %dma_start3A_21 = arith.constant 0 : i32
    %dma_start3A_22 = arith.constant 0 : i32
    %dma_start3A_23 = tpu.memref_slice %arg7[%dma_start3A_21, %dma_start3A_22] : memref<40x128xi32, #tpu.memory_space<vmem>> -> memref<1x128xi32, #tpu.memory_space<vmem>>
    %dma_start3A_24 = tpu.memref_squeeze %dma_start3A_23 : memref<1x128xi32, #tpu.memory_space<vmem>> -> memref<128xi32, #tpu.memory_space<vmem>>
    %dma_start3A_25 = arith.constant 0 : i32
    %dma_start3A_26 = arith.constant 0 : i32
    %dma_start3A_27 = tpu.memref_slice %arg2[%dma_start3A_25, %dma_start3A_26] : memref<10240x128xf32, #tpu.memory_space<hbm>> -> memref<10240x128xf32, #tpu.memory_space<hbm>>
    tpu.enqueue_indirect_dma source(%dma_start3A_27 : memref<10240x128xf32, #tpu.memory_space<hbm>>) target(%arg9 : memref<128x128xf32, #tpu.memory_space<vmem>>) offsets(%dma_start3A_24 : memref<128xi32, #tpu.memory_space<vmem>>) semaphore(%arg12 : memref<!tpu.dma_semaphore, #tpu.memory_space<semaphore_mem>>)
    %dma_start3A_28 = arith.constant 1 : i32
    %dma_start3A_29 = arith.constant 0 : i32
    %dma_start3A_30 = tpu.memref_slice %arg7[%dma_start3A_28, %dma_start3A_29] : memref<40x128xi32, #tpu.memory_space<vmem>> -> memref<1x128xi32, #tpu.memory_space<vmem>>
    %dma_start3A_31 = tpu.memref_squeeze %dma_start3A_30 : memref<1x128xi32, #tpu.memory_space<vmem>> -> memref<128xi32, #tpu.memory_space<vmem>>
    %dma_start3A_32 = arith.constant 0 : i32
    %dma_start3A_33 = arith.constant 0 : i32
    %dma_start3A_34 = tpu.memref_slice %arg2[%dma_start3A_32, %dma_start3A_33] : memref<10240x128xf32, #tpu.memory_space<hbm>> -> memref<10240x128xf32, #tpu.memory_space<hbm>>
    tpu.enqueue_indirect_dma source(%dma_start3A_34 : memref<10240x128xf32, #tpu.memory_space<hbm>>) target(%arg10 : memref<128x128xf32, #tpu.memory_space<vmem>>) offsets(%dma_start3A_31 : memref<128xi32, #tpu.memory_space<vmem>>) semaphore(%arg13 : memref<!tpu.dma_semaphore, #tpu.memory_space<semaphore_mem>>)
    %scan3A_35 = arith.constant 0 : i32
    %scan3A_36 = arith.constant 0 : i32
    %scan3A_37 = arith.constant 20 : i32
    %scan3A_38 = arith.addi %scan3A_36, %scan3A_37 : i32
    %scan3A_39 = arith.constant 1 : i32
    scf.for %scan3A_42 = %scan3A_36 to %scan3A_38 step %scan3A_39  : i32 {
      %mul3A_43 = arith.constant 2 : i32
      %mul3A_44 = arith.muli %mul3A_43, %scan3A_42 : i32
      %dma_wait3A = arith.constant 0 : i32
      %dma_wait3A_45 = tpu.memref_slice %arg7[%mul3A_44, %dma_wait3A] : memref<40x128xi32, #tpu.memory_space<vmem>> -> memref<1x128xi32, #tpu.memory_space<vmem>>
      %dma_wait3A_46 = tpu.memref_squeeze %dma_wait3A_45 : memref<1x128xi32, #tpu.memory_space<vmem>> -> memref<128xi32, #tpu.memory_space<vmem>>
      %dma_wait3A_47 = arith.constant 0 : i32
      %dma_wait3A_48 = arith.constant 0 : i32
      %dma_wait3A_49 = tpu.memref_slice %arg2[%dma_wait3A_47, %dma_wait3A_48] : memref<10240x128xf32, #tpu.memory_space<hbm>> -> memref<10240x128xf32, #tpu.memory_space<hbm>>
      tpu.wait_indirect_dma semaphore(%arg12 : memref<!tpu.dma_semaphore, #tpu.memory_space<semaphore_mem>>) src(%dma_wait3A_49 : memref<10240x128xf32, #tpu.memory_space<hbm>>) dst(%arg9 : memref<128x128xf32, #tpu.memory_space<vmem>>)
      "tpu.region"() ({
        %run_scoped3A = tpu.sem_alloc : memref<!tpu.dma_semaphore, #tpu.memory_space<semaphore_mem>>
        %dma_start3A_71 = arith.constant 0 : i32
        %dma_start3A_72 = tpu.memref_slice %arg8[%mul3A_44, %dma_start3A_71] : memref<40x128xi32, #tpu.memory_space<vmem>> -> memref<1x128xi32, #tpu.memory_space<vmem>>
        %dma_start3A_73 = tpu.memref_squeeze %dma_start3A_72 : memref<1x128xi32, #tpu.memory_space<vmem>> -> memref<128xi32, #tpu.memory_space<vmem>>
        %dma_start3A_74 = arith.constant 0 : i32
        %dma_start3A_75 = arith.constant 0 : i32
        %dma_start3A_76 = tpu.memref_slice %arg11[%dma_start3A_74, %dma_start3A_75] : memref<10240x128xf32, #tpu.memory_space<vmem_shared>> -> memref<10240x128xf32, #tpu.memory_space<vmem_shared>>
        tpu.enqueue_indirect_dma source(%arg9 : memref<128x128xf32, #tpu.memory_space<vmem>>) target(%dma_start3A_76 : memref<10240x128xf32, #tpu.memory_space<vmem_shared>>) offsets(%dma_start3A_73 : memref<128xi32, #tpu.memory_space<vmem>>) semaphore(%run_scoped3A : memref<!tpu.dma_semaphore, #tpu.memory_space<semaphore_mem>>) {add = true}
        %dma_wait3A_77 = arith.constant 0 : i32
        %dma_wait3A_78 = tpu.memref_slice %arg8[%mul3A_44, %dma_wait3A_77] : memref<40x128xi32, #tpu.memory_space<vmem>> -> memref<1x128xi32, #tpu.memory_space<vmem>>
        %dma_wait3A_79 = tpu.memref_squeeze %dma_wait3A_78 : memref<1x128xi32, #tpu.memory_space<vmem>> -> memref<128xi32, #tpu.memory_space<vmem>>
        %dma_wait3A_80 = arith.constant 0 : i32
        %dma_wait3A_81 = arith.constant 0 : i32
        %dma_wait3A_82 = tpu.memref_slice %arg11[%dma_wait3A_80, %dma_wait3A_81] : memref<10240x128xf32, #tpu.memory_space<vmem_shared>> -> memref<10240x128xf32, #tpu.memory_space<vmem_shared>>
        tpu.wait_indirect_dma semaphore(%run_scoped3A : memref<!tpu.dma_semaphore, #tpu.memory_space<semaphore_mem>>) src(%arg9 : memref<128x128xf32, #tpu.memory_space<vmem>>) dst(%dma_wait3A_82 : memref<10240x128xf32, #tpu.memory_space<vmem_shared>>)
        tpu.yield
      }) : () -> ()
      %add3A_50 = arith.constant 2 : i32
      %add3A_51 = arith.addi %mul3A_44, %add3A_50 : i32
      %lt3A = arith.constant 40 : i32
      %lt3A_52 = arith.cmpi slt, %add3A_51, %lt3A : i32
      %convert_element_type3A = arith.extui %lt3A_52 : i1 to i32
      %cond3A = arith.constant 0 : i32
      %cond3A_53 = arith.cmpi ne, %convert_element_type3A, %cond3A : i32
      scf.if %cond3A_53 {
        %add3A_71 = arith.constant 2 : i32
        %add3A_72 = arith.addi %mul3A_44, %add3A_71 : i32
        %dma_start3A_73 = arith.constant 0 : i32
        %dma_start3A_74 = tpu.memref_slice %arg7[%add3A_72, %dma_start3A_73] : memref<40x128xi32, #tpu.memory_space<vmem>> -> memref<1x128xi32, #tpu.memory_space<vmem>>
        %dma_start3A_75 = tpu.memref_squeeze %dma_start3A_74 : memref<1x128xi32, #tpu.memory_space<vmem>> -> memref<128xi32, #tpu.memory_space<vmem>>
        %dma_start3A_76 = arith.constant 0 : i32
        %dma_start3A_77 = arith.constant 0 : i32
        %dma_start3A_78 = tpu.memref_slice %arg2[%dma_start3A_76, %dma_start3A_77] : memref<10240x128xf32, #tpu.memory_space<hbm>> -> memref<10240x128xf32, #tpu.memory_space<hbm>>
        tpu.enqueue_indirect_dma source(%dma_start3A_78 : memref<10240x128xf32, #tpu.memory_space<hbm>>) target(%arg9 : memref<128x128xf32, #tpu.memory_space<vmem>>) offsets(%dma_start3A_75 : memref<128xi32, #tpu.memory_space<vmem>>) semaphore(%arg12 : memref<!tpu.dma_semaphore, #tpu.memory_space<semaphore_mem>>)
      } else {
      }
      %add3A_54 = arith.constant 1 : i32
      %add3A_55 = arith.addi %mul3A_44, %add3A_54 : i32
      %dma_wait3A_56 = arith.constant 0 : i32
      %dma_wait3A_57 = tpu.memref_slice %arg7[%add3A_55, %dma_wait3A_56] : memref<40x128xi32, #tpu.memory_space<vmem>> -> memref<1x128xi32, #tpu.memory_space<vmem>>
      %dma_wait3A_58 = tpu.memref_squeeze %dma_wait3A_57 : memref<1x128xi32, #tpu.memory_space<vmem>> -> memref<128xi32, #tpu.memory_space<vmem>>
      %dma_wait3A_59 = arith.constant 0 : i32
      %dma_wait3A_60 = arith.constant 0 : i32
      %dma_wait3A_61 = tpu.memref_slice %arg2[%dma_wait3A_59, %dma_wait3A_60] : memref<10240x128xf32, #tpu.memory_space<hbm>> -> memref<10240x128xf32, #tpu.memory_space<hbm>>
      tpu.wait_indirect_dma semaphore(%arg13 : memref<!tpu.dma_semaphore, #tpu.memory_space<semaphore_mem>>) src(%dma_wait3A_61 : memref<10240x128xf32, #tpu.memory_space<hbm>>) dst(%arg10 : memref<128x128xf32, #tpu.memory_space<vmem>>)
      %add3A_62 = arith.constant 1 : i32
      %add3A_63 = arith.addi %mul3A_44, %add3A_62 : i32
      "tpu.region"() ({
        %run_scoped3A = tpu.sem_alloc : memref<!tpu.dma_semaphore, #tpu.memory_space<semaphore_mem>>
        %dma_start3A_71 = arith.constant 0 : i32
        %dma_start3A_72 = tpu.memref_slice %arg8[%add3A_63, %dma_start3A_71] : memref<40x128xi32, #tpu.memory_space<vmem>> -> memref<1x128xi32, #tpu.memory_space<vmem>>
        %dma_start3A_73 = tpu.memref_squeeze %dma_start3A_72 : memref<1x128xi32, #tpu.memory_space<vmem>> -> memref<128xi32, #tpu.memory_space<vmem>>
        %dma_start3A_74 = arith.constant 0 : i32
        %dma_start3A_75 = arith.constant 0 : i32
        %dma_start3A_76 = tpu.memref_slice %arg11[%dma_start3A_74, %dma_start3A_75] : memref<10240x128xf32, #tpu.memory_space<vmem_shared>> -> memref<10240x128xf32, #tpu.memory_space<vmem_shared>>
        tpu.enqueue_indirect_dma source(%arg10 : memref<128x128xf32, #tpu.memory_space<vmem>>) target(%dma_start3A_76 : memref<10240x128xf32, #tpu.memory_space<vmem_shared>>) offsets(%dma_start3A_73 : memref<128xi32, #tpu.memory_space<vmem>>) semaphore(%run_scoped3A : memref<!tpu.dma_semaphore, #tpu.memory_space<semaphore_mem>>) {add = true}
        %dma_wait3A_77 = arith.constant 0 : i32
        %dma_wait3A_78 = tpu.memref_slice %arg8[%add3A_63, %dma_wait3A_77] : memref<40x128xi32, #tpu.memory_space<vmem>> -> memref<1x128xi32, #tpu.memory_space<vmem>>
        %dma_wait3A_79 = tpu.memref_squeeze %dma_wait3A_78 : memref<1x128xi32, #tpu.memory_space<vmem>> -> memref<128xi32, #tpu.memory_space<vmem>>
        %dma_wait3A_80 = arith.constant 0 : i32
        %dma_wait3A_81 = arith.constant 0 : i32
        %dma_wait3A_82 = tpu.memref_slice %arg11[%dma_wait3A_80, %dma_wait3A_81] : memref<10240x128xf32, #tpu.memory_space<vmem_shared>> -> memref<10240x128xf32, #tpu.memory_space<vmem_shared>>
        tpu.wait_indirect_dma semaphore(%run_scoped3A : memref<!tpu.dma_semaphore, #tpu.memory_space<semaphore_mem>>) src(%arg10 : memref<128x128xf32, #tpu.memory_space<vmem>>) dst(%dma_wait3A_82 : memref<10240x128xf32, #tpu.memory_space<vmem_shared>>)
        tpu.yield
      }) : () -> ()
      %add3A_64 = arith.constant 3 : i32
      %add3A_65 = arith.addi %mul3A_44, %add3A_64 : i32
      %lt3A_66 = arith.constant 40 : i32
      %lt3A_67 = arith.cmpi slt, %add3A_65, %lt3A_66 : i32
      %convert_element_type3A_68 = arith.extui %lt3A_67 : i1 to i32
      %cond3A_69 = arith.constant 0 : i32
      %cond3A_70 = arith.cmpi ne, %convert_element_type3A_68, %cond3A_69 : i32
      scf.if %cond3A_70 {
        %add3A_71 = arith.constant 3 : i32
        %add3A_72 = arith.addi %mul3A_44, %add3A_71 : i32
        %dma_start3A_73 = arith.constant 0 : i32
        %dma_start3A_74 = tpu.memref_slice %arg7[%add3A_72, %dma_start3A_73] : memref<40x128xi32, #tpu.memory_space<vmem>> -> memref<1x128xi32, #tpu.memory_space<vmem>>
        %dma_start3A_75 = tpu.memref_squeeze %dma_start3A_74 : memref<1x128xi32, #tpu.memory_space<vmem>> -> memref<128xi32, #tpu.memory_space<vmem>>
        %dma_start3A_76 = arith.constant 0 : i32
        %dma_start3A_77 = arith.constant 0 : i32
        %dma_start3A_78 = tpu.memref_slice %arg2[%dma_start3A_76, %dma_start3A_77] : memref<10240x128xf32, #tpu.memory_space<hbm>> -> memref<10240x128xf32, #tpu.memory_space<hbm>>
        tpu.enqueue_indirect_dma source(%dma_start3A_78 : memref<10240x128xf32, #tpu.memory_space<hbm>>) target(%arg10 : memref<128x128xf32, #tpu.memory_space<vmem>>) offsets(%dma_start3A_75 : memref<128xi32, #tpu.memory_space<vmem>>) semaphore(%arg13 : memref<!tpu.dma_semaphore, #tpu.memory_space<semaphore_mem>>)
      } else {
      }
    }
    %scan3A_40 = arith.constant 20 : i32
    %barrier3A_41 = arith.constant 0 : index
    tpu.barrier barrier_id(%barrier3A_41)
    "tpu.region"() ({
      %run_scoped3A = tpu.sem_alloc : memref<!tpu.dma_semaphore, #tpu.memory_space<semaphore_mem>>
      %dma_start3A_42 = arith.constant 0 : i32
      %dma_start3A_43 = tpu.memref_slice %arg6[%arg0, %mul3A_2, %dma_start3A_42] : memref<2x10240x128xf32, #tpu.memory_space<hbm>> -> memref<1x640x128xf32, #tpu.memory_space<hbm>>
      %dma_start3A_44 = tpu.memref_squeeze %dma_start3A_43 : memref<1x640x128xf32, #tpu.memory_space<hbm>> -> memref<640x128xf32, #tpu.memory_space<hbm>>
      %dma_start3A_45 = arith.constant 0 : i32
      %dma_start3A_46 = tpu.memref_slice %arg11[%mul3A_2, %dma_start3A_45] : memref<10240x128xf32, #tpu.memory_space<vmem_shared>> -> memref<640x128xf32, #tpu.memory_space<vmem_shared>>
      tpu.enqueue_dma source(%dma_start3A_46 : memref<640x128xf32, #tpu.memory_space<vmem_shared>>) target(%dma_start3A_44 : memref<640x128xf32, #tpu.memory_space<hbm>>) target_semaphore(%run_scoped3A : memref<!tpu.dma_semaphore, #tpu.memory_space<semaphore_mem>>)
      %dma_wait3A = arith.constant 0 : i32
      %dma_wait3A_47 = tpu.memref_slice %arg6[%arg0, %mul3A_2, %dma_wait3A] : memref<2x10240x128xf32, #tpu.memory_space<hbm>> -> memref<1x640x128xf32, #tpu.memory_space<hbm>>
      %dma_wait3A_48 = tpu.memref_squeeze %dma_wait3A_47 : memref<1x640x128xf32, #tpu.memory_space<hbm>> -> memref<640x128xf32, #tpu.memory_space<hbm>>
      %dma_wait3A_49 = arith.constant 0 : i32
      %dma_wait3A_50 = tpu.memref_slice %arg11[%mul3A_2, %dma_wait3A_49] : memref<10240x128xf32, #tpu.memory_space<vmem_shared>> -> memref<640x128xf32, #tpu.memory_space<vmem_shared>>
      tpu.wait_dma2 semaphore(%run_scoped3A : memref<!tpu.dma_semaphore, #tpu.memory_space<semaphore_mem>>) src(%dma_wait3A_50 : memref<640x128xf32, #tpu.memory_space<vmem_shared>>) dst(%dma_wait3A_48 : memref<640x128xf32, #tpu.memory_space<hbm>>)
      tpu.yield
    }) : () -> ()
    return
  }
}

#map = affine_map<(d0, d1) -> (0, 0, 0)>
#map1 = affine_map<(d0, d1) -> (0, 0)>
module attributes {stable_mosaic.version = 14 : i64} {
  func.func @hist(%arg0: i32, %arg1: i32, %arg2: memref<32x80x128xi32, #tpu.memory_space<hbm>>, %arg3: memref<2x10240xf32, #tpu.memory_space<hbm>>, %arg4: memref<80x128xi32, #tpu.memory_space<vmem>>, %arg5: memref<128xf32, #tpu.memory_space<vmem>>, %arg6: memref<640xf32, #tpu.memory_space<vmem>>, %arg7: memref<10240xf32, #tpu.memory_space<vmem_shared>>) attributes {dimension_semantics = [#tpu.dimension_semantics<core_parallel>, #tpu.dimension_semantics<subcore_parallel>], iteration_bounds = array<i64: 2, 16>, scalar_prefetch = 0 : i64, scratch_operands = 4 : i64, tpu.core_type = #tpu.core_type<sc_vector_subcore>, window_params = [{transform_indices = #map}, {transform_indices = #map1}]} {
    %mul3A = arith.constant 16 : i32
    %mul3A_0 = arith.muli %arg0, %mul3A : i32
    %add3A = arith.addi %mul3A_0, %arg1 : i32
    "tpu.region"() ({
      %run_scoped3A = tpu.sem_alloc : memref<!tpu.dma_semaphore, #tpu.memory_space<semaphore_mem>>
      %dma_start3A = arith.constant 0 : i32
      %dma_start3A_51 = arith.constant 0 : i32
      %dma_start3A_52 = tpu.memref_slice %arg2[%add3A, %dma_start3A, %dma_start3A_51] : memref<32x80x128xi32, #tpu.memory_space<hbm>> -> memref<1x80x128xi32, #tpu.memory_space<hbm>>
      %dma_start3A_53 = tpu.memref_squeeze %dma_start3A_52 : memref<1x80x128xi32, #tpu.memory_space<hbm>> -> memref<80x128xi32, #tpu.memory_space<hbm>>
      %dma_start3A_54 = arith.constant 0 : i32
      %dma_start3A_55 = arith.constant 0 : i32
      %dma_start3A_56 = tpu.memref_slice %arg2[%add3A, %dma_start3A_54, %dma_start3A_55] : memref<32x80x128xi32, #tpu.memory_space<hbm>> -> memref<1x80x128xi32, #tpu.memory_space<hbm>>
      %dma_start3A_57 = tpu.memref_squeeze %dma_start3A_56 : memref<1x80x128xi32, #tpu.memory_space<hbm>> -> memref<80x128xi32, #tpu.memory_space<hbm>>
      tpu.enqueue_dma source(%dma_start3A_57 : memref<80x128xi32, #tpu.memory_space<hbm>>) target(%arg4 : memref<80x128xi32, #tpu.memory_space<vmem>>) target_semaphore(%run_scoped3A : memref<!tpu.dma_semaphore, #tpu.memory_space<semaphore_mem>>)
      %dma_wait3A = arith.constant 0 : i32
      %dma_wait3A_58 = arith.constant 0 : i32
      %dma_wait3A_59 = tpu.memref_slice %arg2[%add3A, %dma_wait3A, %dma_wait3A_58] : memref<32x80x128xi32, #tpu.memory_space<hbm>> -> memref<1x80x128xi32, #tpu.memory_space<hbm>>
      %dma_wait3A_60 = tpu.memref_squeeze %dma_wait3A_59 : memref<1x80x128xi32, #tpu.memory_space<hbm>> -> memref<80x128xi32, #tpu.memory_space<hbm>>
      %dma_wait3A_61 = arith.constant 0 : i32
      %dma_wait3A_62 = arith.constant 0 : i32
      %dma_wait3A_63 = tpu.memref_slice %arg2[%add3A, %dma_wait3A_61, %dma_wait3A_62] : memref<32x80x128xi32, #tpu.memory_space<hbm>> -> memref<1x80x128xi32, #tpu.memory_space<hbm>>
      %dma_wait3A_64 = tpu.memref_squeeze %dma_wait3A_63 : memref<1x80x128xi32, #tpu.memory_space<hbm>> -> memref<80x128xi32, #tpu.memory_space<hbm>>
      tpu.wait_dma2 semaphore(%run_scoped3A : memref<!tpu.dma_semaphore, #tpu.memory_space<semaphore_mem>>) src(%dma_wait3A_64 : memref<80x128xi32, #tpu.memory_space<hbm>>) dst(%arg4 : memref<80x128xi32, #tpu.memory_space<vmem>>)
      tpu.yield
    }) : () -> ()
    %broadcast_in_dim3A = arith.constant 1.000000e+00 : f32
    %broadcast_in_dim3A_1 = vector.broadcast %broadcast_in_dim3A : f32 to vector<16xf32>
    %swap3A = arith.constant 0 : index
    %swap3A_2 = tpu.vector_load %arg5[%swap3A] {strides = array<i32>} : memref<128xf32, #tpu.memory_space<vmem>>, vector<16xf32>,
    %swap3A_3 = vector.shape_cast %swap3A_2 : vector<16xf32> to vector<16xf32>
    %swap3A_4 = vector.shape_cast %broadcast_in_dim3A_1 : vector<16xf32> to vector<16xf32>
    tpu.vector_store %arg5[%swap3A], %swap3A_4 {strides = array<i32>} : memref<128xf32, #tpu.memory_space<vmem>>, vector<16xf32>,
    %swap3A_5 = arith.constant 16 : index
    %swap3A_6 = tpu.vector_load %arg5[%swap3A_5] {strides = array<i32>} : memref<128xf32, #tpu.memory_space<vmem>>, vector<16xf32>,
    %swap3A_7 = vector.shape_cast %swap3A_6 : vector<16xf32> to vector<16xf32>
    %swap3A_8 = vector.shape_cast %broadcast_in_dim3A_1 : vector<16xf32> to vector<16xf32>
    tpu.vector_store %arg5[%swap3A_5], %swap3A_8 {strides = array<i32>} : memref<128xf32, #tpu.memory_space<vmem>>, vector<16xf32>,
    %swap3A_9 = arith.constant 32 : index
    %swap3A_10 = tpu.vector_load %arg5[%swap3A_9] {strides = array<i32>} : memref<128xf32, #tpu.memory_space<vmem>>, vector<16xf32>,
    %swap3A_11 = vector.shape_cast %swap3A_10 : vector<16xf32> to vector<16xf32>
    %swap3A_12 = vector.shape_cast %broadcast_in_dim3A_1 : vector<16xf32> to vector<16xf32>
    tpu.vector_store %arg5[%swap3A_9], %swap3A_12 {strides = array<i32>} : memref<128xf32, #tpu.memory_space<vmem>>, vector<16xf32>,
    %swap3A_13 = arith.constant 48 : index
    %swap3A_14 = tpu.vector_load %arg5[%swap3A_13] {strides = array<i32>} : memref<128xf32, #tpu.memory_space<vmem>>, vector<16xf32>,
    %swap3A_15 = vector.shape_cast %swap3A_14 : vector<16xf32> to vector<16xf32>
    %swap3A_16 = vector.shape_cast %broadcast_in_dim3A_1 : vector<16xf32> to vector<16xf32>
    tpu.vector_store %arg5[%swap3A_13], %swap3A_16 {strides = array<i32>} : memref<128xf32, #tpu.memory_space<vmem>>, vector<16xf32>,
    %swap3A_17 = arith.constant 64 : index
    %swap3A_18 = tpu.vector_load %arg5[%swap3A_17] {strides = array<i32>} : memref<128xf32, #tpu.memory_space<vmem>>, vector<16xf32>,
    %swap3A_19 = vector.shape_cast %swap3A_18 : vector<16xf32> to vector<16xf32>
    %swap3A_20 = vector.shape_cast %broadcast_in_dim3A_1 : vector<16xf32> to vector<16xf32>
    tpu.vector_store %arg5[%swap3A_17], %swap3A_20 {strides = array<i32>} : memref<128xf32, #tpu.memory_space<vmem>>, vector<16xf32>,
    %swap3A_21 = arith.constant 80 : index
    %swap3A_22 = tpu.vector_load %arg5[%swap3A_21] {strides = array<i32>} : memref<128xf32, #tpu.memory_space<vmem>>, vector<16xf32>,
    %swap3A_23 = vector.shape_cast %swap3A_22 : vector<16xf32> to vector<16xf32>
    %swap3A_24 = vector.shape_cast %broadcast_in_dim3A_1 : vector<16xf32> to vector<16xf32>
    tpu.vector_store %arg5[%swap3A_21], %swap3A_24 {strides = array<i32>} : memref<128xf32, #tpu.memory_space<vmem>>, vector<16xf32>,
    %swap3A_25 = arith.constant 96 : index
    %swap3A_26 = tpu.vector_load %arg5[%swap3A_25] {strides = array<i32>} : memref<128xf32, #tpu.memory_space<vmem>>, vector<16xf32>,
    %swap3A_27 = vector.shape_cast %swap3A_26 : vector<16xf32> to vector<16xf32>
    %swap3A_28 = vector.shape_cast %broadcast_in_dim3A_1 : vector<16xf32> to vector<16xf32>
    tpu.vector_store %arg5[%swap3A_25], %swap3A_28 {strides = array<i32>} : memref<128xf32, #tpu.memory_space<vmem>>, vector<16xf32>,
    %swap3A_29 = arith.constant 112 : index
    %swap3A_30 = tpu.vector_load %arg5[%swap3A_29] {strides = array<i32>} : memref<128xf32, #tpu.memory_space<vmem>>, vector<16xf32>,
    %swap3A_31 = vector.shape_cast %swap3A_30 : vector<16xf32> to vector<16xf32>
    %swap3A_32 = vector.shape_cast %broadcast_in_dim3A_1 : vector<16xf32> to vector<16xf32>
    tpu.vector_store %arg5[%swap3A_29], %swap3A_32 {strides = array<i32>} : memref<128xf32, #tpu.memory_space<vmem>>, vector<16xf32>,
    %broadcast_in_dim3A_33 = arith.constant 0.000000e+00 : f32
    %broadcast_in_dim3A_34 = vector.broadcast %broadcast_in_dim3A_33 : f32 to vector<16xf32>
    %scan3A = arith.constant 0 : i32
    %scan3A_35 = arith.constant 0 : i32
    %scan3A_36 = arith.constant 40 : i32
    %scan3A_37 = arith.addi %scan3A_35, %scan3A_36 : i32
    %scan3A_38 = arith.constant 1 : i32
    scf.for %scan3A_51 = %scan3A_35 to %scan3A_37 step %scan3A_38  : i32 {
      %mul3A_52 = arith.constant 16 : i32
      %mul3A_53 = arith.muli %scan3A_51, %mul3A_52 : i32
      %swap3A_54 = arith.index_cast %mul3A_53 : i32 to index
      %swap3A_55 = tpu.vector_load %arg6[%swap3A_54] {strides = array<i32>} : memref<640xf32, #tpu.memory_space<vmem>>, vector<16xf32>,
      %swap3A_56 = vector.shape_cast %swap3A_55 : vector<16xf32> to vector<16xf32>
      %swap3A_57 = vector.shape_cast %broadcast_in_dim3A_34 : vector<16xf32> to vector<16xf32>
      tpu.vector_store %arg6[%swap3A_54], %swap3A_57 {strides = array<i32>} : memref<640xf32, #tpu.memory_space<vmem>>, vector<16xf32>,
    }
    %scan3A_39 = arith.constant 40 : i32
    %mul3A_40 = arith.constant 640 : i32
    %mul3A_41 = arith.muli %arg1, %mul3A_40 : i32
    "tpu.region"() ({
      %run_scoped3A = tpu.sem_alloc : memref<!tpu.dma_semaphore, #tpu.memory_space<semaphore_mem>>
      %dma_start3A = tpu.memref_slice %arg7[%mul3A_41] : memref<10240xf32, #tpu.memory_space<vmem_shared>> -> memref<640xf32, #tpu.memory_space<vmem_shared>>
      %dma_start3A_51 = tpu.memref_slice %arg7[%mul3A_41] : memref<10240xf32, #tpu.memory_space<vmem_shared>> -> memref<640xf32, #tpu.memory_space<vmem_shared>>
      tpu.enqueue_dma source(%arg6 : memref<640xf32, #tpu.memory_space<vmem>>) target(%dma_start3A_51 : memref<640xf32, #tpu.memory_space<vmem_shared>>) target_semaphore(%run_scoped3A : memref<!tpu.dma_semaphore, #tpu.memory_space<semaphore_mem>>)
      %dma_wait3A = tpu.memref_slice %arg7[%mul3A_41] : memref<10240xf32, #tpu.memory_space<vmem_shared>> -> memref<640xf32, #tpu.memory_space<vmem_shared>>
      %dma_wait3A_52 = tpu.memref_slice %arg7[%mul3A_41] : memref<10240xf32, #tpu.memory_space<vmem_shared>> -> memref<640xf32, #tpu.memory_space<vmem_shared>>
      tpu.wait_dma2 semaphore(%run_scoped3A : memref<!tpu.dma_semaphore, #tpu.memory_space<semaphore_mem>>) src(%arg6 : memref<640xf32, #tpu.memory_space<vmem>>) dst(%dma_wait3A_52 : memref<640xf32, #tpu.memory_space<vmem_shared>>)
      tpu.yield
    }) : () -> ()
    %barrier3A = arith.constant 0 : index
    tpu.barrier barrier_id(%barrier3A)
    %scan3A_42 = arith.constant 0 : i32
    %scan3A_43 = arith.constant 0 : i32
    %scan3A_44 = arith.constant 80 : i32
    %scan3A_45 = arith.addi %scan3A_43, %scan3A_44 : i32
    %scan3A_46 = arith.constant 1 : i32
    scf.for %scan3A_51 = %scan3A_43 to %scan3A_45 step %scan3A_46  : i32 {
      "tpu.region"() ({
        %run_scoped3A = tpu.sem_alloc : memref<!tpu.dma_semaphore, #tpu.memory_space<semaphore_mem>>
        %dma_start3A = arith.constant 0 : i32
        %dma_start3A_52 = tpu.memref_slice %arg4[%scan3A_51, %dma_start3A] : memref<80x128xi32, #tpu.memory_space<vmem>> -> memref<1x128xi32, #tpu.memory_space<vmem>>
        %dma_start3A_53 = tpu.memref_squeeze %dma_start3A_52 : memref<1x128xi32, #tpu.memory_space<vmem>> -> memref<128xi32, #tpu.memory_space<vmem>>
        %dma_start3A_54 = arith.constant 0 : i32
        %dma_start3A_55 = tpu.memref_slice %arg7[%dma_start3A_54] : memref<10240xf32, #tpu.memory_space<vmem_shared>> -> memref<10240xf32, #tpu.memory_space<vmem_shared>>
        tpu.enqueue_indirect_dma source(%arg5 : memref<128xf32, #tpu.memory_space<vmem>>) target(%dma_start3A_55 : memref<10240xf32, #tpu.memory_space<vmem_shared>>) offsets(%dma_start3A_53 : memref<128xi32, #tpu.memory_space<vmem>>) semaphore(%run_scoped3A : memref<!tpu.dma_semaphore, #tpu.memory_space<semaphore_mem>>) {add = true}
        %dma_wait3A = arith.constant 0 : i32
        %dma_wait3A_56 = tpu.memref_slice %arg4[%scan3A_51, %dma_wait3A] : memref<80x128xi32, #tpu.memory_space<vmem>> -> memref<1x128xi32, #tpu.memory_space<vmem>>
        %dma_wait3A_57 = tpu.memref_squeeze %dma_wait3A_56 : memref<1x128xi32, #tpu.memory_space<vmem>> -> memref<128xi32, #tpu.memory_space<vmem>>
        %dma_wait3A_58 = arith.constant 0 : i32
        %dma_wait3A_59 = tpu.memref_slice %arg7[%dma_wait3A_58] : memref<10240xf32, #tpu.memory_space<vmem_shared>> -> memref<10240xf32, #tpu.memory_space<vmem_shared>>
        tpu.wait_indirect_dma semaphore(%run_scoped3A : memref<!tpu.dma_semaphore, #tpu.memory_space<semaphore_mem>>) src(%arg5 : memref<128xf32, #tpu.memory_space<vmem>>) dst(%dma_wait3A_59 : memref<10240xf32, #tpu.memory_space<vmem_shared>>)
        tpu.yield
      }) : () -> ()
    }
    %scan3A_47 = arith.constant 80 : i32
    %barrier3A_48 = arith.constant 0 : index
    tpu.barrier barrier_id(%barrier3A_48)
    %eq3A = arith.constant 0 : i32
    %eq3A_49 = arith.cmpi eq, %arg1, %eq3A : i32
    %convert_element_type3A = arith.extui %eq3A_49 : i1 to i32
    %cond3A = arith.constant 0 : i32
    %cond3A_50 = arith.cmpi ne, %convert_element_type3A, %cond3A : i32
    scf.if %cond3A_50 {
      "tpu.region"() ({
        %run_scoped3A = tpu.sem_alloc : memref<!tpu.dma_semaphore, #tpu.memory_space<semaphore_mem>>
        %dma_start3A = arith.constant 0 : i32
        %dma_start3A_51 = tpu.memref_slice %arg3[%arg0, %dma_start3A] : memref<2x10240xf32, #tpu.memory_space<hbm>> -> memref<1x10240xf32, #tpu.memory_space<hbm>>
        %dma_start3A_52 = tpu.memref_squeeze %dma_start3A_51 : memref<1x10240xf32, #tpu.memory_space<hbm>> -> memref<10240xf32, #tpu.memory_space<hbm>>
        tpu.enqueue_dma source(%arg7 : memref<10240xf32, #tpu.memory_space<vmem_shared>>) target(%dma_start3A_52 : memref<10240xf32, #tpu.memory_space<hbm>>) target_semaphore(%run_scoped3A : memref<!tpu.dma_semaphore, #tpu.memory_space<semaphore_mem>>)
        %dma_wait3A = arith.constant 0 : i32
        %dma_wait3A_53 = tpu.memref_slice %arg3[%arg0, %dma_wait3A] : memref<2x10240xf32, #tpu.memory_space<hbm>> -> memref<1x10240xf32, #tpu.memory_space<hbm>>
        %dma_wait3A_54 = tpu.memref_squeeze %dma_wait3A_53 : memref<1x10240xf32, #tpu.memory_space<hbm>> -> memref<10240xf32, #tpu.memory_space<hbm>>
        tpu.wait_dma2 semaphore(%run_scoped3A : memref<!tpu.dma_semaphore, #tpu.memory_space<semaphore_mem>>) src(%arg7 : memref<10240xf32, #tpu.memory_space<vmem_shared>>) dst(%dma_wait3A_54 : memref<10240xf32, #tpu.memory_space<hbm>>)
        tpu.yield
      }) : () -> ()
    } else {
    }
    return
  }
}

module attributes {stable_mosaic.version = 14 : i64} {
  func.func @body(%arg0: i32, %arg1: memref<640x128xf32, #tpu.memory_space<vmem>>, %arg2: memref<128x128xf32, #tpu.memory_space<vmem>>, %arg3: memref<1x128xf32, #tpu.memory_space<vmem>>, %arg4: memref<1x128xf32, #tpu.memory_space<vmem>>, %arg5: memref<1x2x640xf32, #tpu.memory_space<vmem>>, %arg6: memref<1x640x128xf32, #tpu.memory_space<vmem>>) attributes {dimension_semantics = [#tpu.dimension_semantics<arbitrary>], iteration_bounds = array<i64: 16>, scalar_prefetch = 0 : i64, scratch_operands = 0 : i64, tpu.core_type = #tpu.core_type<tc>, window_params = [{transform_indices = @transform_0, window_bounds = array<i64: 640, 128>}, {pipeline_mode = #tpu.pipeline_mode<synchronous>, transform_indices = @transform_1, window_bounds = array<i64: 128, 128>}, {pipeline_mode = #tpu.pipeline_mode<synchronous>, transform_indices = @transform_2, window_bounds = array<i64: 1, 128>}, {pipeline_mode = #tpu.pipeline_mode<synchronous>, transform_indices = @transform_3, window_bounds = array<i64: 1, 128>}, {transform_indices = @transform_4, window_bounds = array<i64: 1, 2, 640>}, {transform_indices = @transform_5, window_bounds = array<i64: 1, 640, 128>}]} {
    %get3A = arith.constant 0 : index
    %get3A_0 = arith.constant 0 : index
    %get3A_1 = vector.load %arg1[%get3A, %get3A_0] : memref<640x128xf32, #tpu.memory_space<vmem>>, vector<640x128xf32>
    %reduce_sum3A = arith.constant dense<0.000000e+00> : vector<640xf32>
    %reduce_sum3A_2 = vector.multi_reduction <add>, %get3A_1, %reduce_sum3A [1] : vector<640x128xf32> to vector<640xf32>
    %broadcast_in_dim3A = vector.shape_cast %reduce_sum3A_2 : vector<640xf32> to vector<640x1xf32>
    %div3A = arith.constant 1.280000e+02 : f32
    %div3A_3 = vector.broadcast %div3A : f32 to vector<640x1xf32>
    %div3A_4 = arith.divf %broadcast_in_dim3A, %div3A_3 : vector<640x1xf32>
    %sub3A = vector.broadcast %div3A_4 : vector<640x1xf32> to vector<640x128xf32>
    %sub3A_5 = arith.subf %get3A_1, %sub3A : vector<640x128xf32>
    %mul3A = arith.mulf %sub3A_5, %sub3A_5 : vector<640x128xf32>
    %reduce_sum3A_6 = arith.constant dense<0.000000e+00> : vector<640xf32>
    %reduce_sum3A_7 = vector.multi_reduction <add>, %mul3A, %reduce_sum3A_6 [1] : vector<640x128xf32> to vector<640xf32>
    %broadcast_in_dim3A_8 = vector.shape_cast %reduce_sum3A_7 : vector<640xf32> to vector<640x1xf32>
    %div3A_9 = arith.constant 1.280000e+02 : f32
    %div3A_10 = vector.broadcast %div3A_9 : f32 to vector<640x1xf32>
    %div3A_11 = arith.divf %broadcast_in_dim3A_8, %div3A_10 : vector<640x1xf32>
    %add3A = arith.constant 9.99999974E-6 : f32
    %add3A_12 = vector.broadcast %add3A : f32 to vector<640x1xf32>
    %add3A_13 = arith.addf %div3A_11, %add3A_12 : vector<640x1xf32>
    %rsqrt3A = math.rsqrt %add3A_13 : vector<640x1xf32>
    %mul3A_14 = vector.broadcast %rsqrt3A : vector<640x1xf32> to vector<640x128xf32>
    %mul3A_15 = arith.mulf %sub3A_5, %mul3A_14 : vector<640x128xf32>
    %get3A_16 = arith.constant 0 : index
    %get3A_17 = arith.constant 0 : index
    %get3A_18 = vector.load %arg3[%get3A_16, %get3A_17] : memref<1x128xf32, #tpu.memory_space<vmem>>, vector<1x128xf32>
    %mul3A_19 = vector.broadcast %get3A_18 : vector<1x128xf32> to vector<640x128xf32>
    %mul3A_20 = arith.mulf %mul3A_15, %mul3A_19 : vector<640x128xf32>
    %get3A_21 = arith.constant 0 : index
    %get3A_22 = arith.constant 0 : index
    %get3A_23 = vector.load %arg4[%get3A_21, %get3A_22] : memref<1x128xf32, #tpu.memory_space<vmem>>, vector<1x128xf32>
    %add3A_24 = vector.broadcast %get3A_23 : vector<1x128xf32> to vector<640x128xf32>
    %add3A_25 = arith.addf %mul3A_20, %add3A_24 : vector<640x128xf32>
    %get3A_26 = arith.constant 0 : index
    %get3A_27 = arith.constant 0 : index
    %get3A_28 = vector.load %arg2[%get3A_26, %get3A_27] : memref<128x128xf32, #tpu.memory_space<vmem>>, vector<128x128xf32>
    %dot_general3A = arith.constant dense<0.000000e+00> : vector<640x128xf32>
    %dot_general3A_29 = tpu.matmul %add3A_25, %get3A_28, %dot_general3A {dimension_numbers = #tpu.dot_dimension_numbers<[1], [0], [0], [1], [0, 0, 1, 1], [], []>, transpose_lhs_hint = false} : vector<640x128xf32>, vector<128x128xf32>, vector<640x128xf32> -> vector<640x128xf32>
    %get3A_30 = arith.constant 0 : index
    %get3A_31 = arith.constant 0 : index
    %get3A_32 = arith.constant 0 : index
    %get3A_33 = vector.load %arg5[%get3A_30, %get3A_31, %get3A_32] : memref<1x2x640xf32, #tpu.memory_space<vmem>>, vector<1x1x640xf32>
    %get3A_34 = vector.shape_cast %get3A_33 : vector<1x1x640xf32> to vector<640xf32>
    %get3A_35 = arith.constant 0 : index
    %get3A_36 = arith.constant 1 : index
    %get3A_37 = arith.constant 0 : index
    %get3A_38 = vector.load %arg5[%get3A_35, %get3A_36, %get3A_37] : memref<1x2x640xf32, #tpu.memory_space<vmem>>, vector<1x1x640xf32>
    %get3A_39 = vector.shape_cast %get3A_38 : vector<1x1x640xf32> to vector<640xf32>
    %add3A_40 = arith.addf %get3A_34, %get3A_39 : vector<640xf32>
    %add3A_41 = arith.constant 2.000000e+00 : f32
    %add3A_42 = vector.broadcast %add3A_41 : f32 to vector<640xf32>
    %add3A_43 = arith.addf %add3A_40, %add3A_42 : vector<640xf32>
    %rsqrt3A_44 = math.rsqrt %add3A_43 : vector<640xf32>
    %broadcast_in_dim3A_45 = vector.shape_cast %rsqrt3A_44 : vector<640xf32> to vector<640x1xf32>
    %mul3A_46 = vector.broadcast %broadcast_in_dim3A_45 : vector<640x1xf32> to vector<640x128xf32>
    %mul3A_47 = arith.mulf %dot_general3A_29, %mul3A_46 : vector<640x128xf32>
    %mul3A_48 = arith.constant 640 : i32
    %mul3A_49 = arith.muli %arg0, %mul3A_48 : i32
    %iota3A = tpu.iota {dimensions = array<i32: 0>} : vector<640x1xi32>
    %add3A_50 = vector.broadcast %mul3A_49 : i32 to vector<640x1xi32>
    %add3A_51 = arith.addi %add3A_50, %iota3A : vector<640x1xi32>
    %lt3A = arith.constant 10000 : i32
    %lt3A_52 = vector.broadcast %lt3A : i32 to vector<640x1xi32>
    %lt3A_53 = arith.cmpi slt, %add3A_51, %lt3A_52 : vector<640x1xi32>
    %jit3A = arith.constant 0.000000e+00 : f32
    %broadcast_in_dim3A_54 = vector.shape_cast %lt3A_53 : vector<640x1xi1> to vector<640x1xi1>
    %broadcast_in_dim3A_55 = vector.broadcast %broadcast_in_dim3A_54 : vector<640x1xi1> to vector<640x128xi1>
    %broadcast_in_dim3A_56 = vector.broadcast %jit3A : f32 to vector<640x128xf32>
    %select_n3A = arith.select %broadcast_in_dim3A_55, %mul3A_47, %broadcast_in_dim3A_56 : vector<640x128xi1>, vector<640x128xf32>
    %swap3A = arith.constant 0 : index
    %swap3A_57 = arith.constant 0 : index
    %swap3A_58 = arith.constant 0 : index
    %swap3A_59 = vector.load %arg6[%swap3A, %swap3A_57, %swap3A_58] : memref<1x640x128xf32, #tpu.memory_space<vmem>>, vector<1x640x128xf32>
    %swap3A_60 = vector.shape_cast %swap3A_59 : vector<1x640x128xf32> to vector<640x128xf32>
    %swap3A_61 = vector.shape_cast %select_n3A : vector<640x128xf32> to vector<1x640x128xf32>
    tpu.vector_store %arg6[%swap3A, %swap3A_57, %swap3A_58], %swap3A_61 {strides = array<i32>} : memref<1x640x128xf32, #tpu.memory_space<vmem>>, vector<1x640x128xf32>,
    return
  }
  func.func @transform_0(%arg0: i32) -> (i32, i32) {
    %c0_i32 = arith.constant 0 : i32
    %c0_i32_0 = arith.constant 0 : i32
    return %arg0, %c0_i32 : i32, i32
  }
  func.func @transform_1(%arg0: i32) -> (i32, i32) {
    %c0_i32 = arith.constant 0 : i32
    %c0_i32_0 = arith.constant 0 : i32
    %c0_i32_1 = arith.constant 0 : i32
    return %c0_i32, %c0_i32_0 : i32, i32
  }
  func.func @transform_2(%arg0: i32) -> (i32, i32) {
    %c0_i32 = arith.constant 0 : i32
    %c0_i32_0 = arith.constant 0 : i32
    %c0_i32_1 = arith.constant 0 : i32
    return %c0_i32, %c0_i32_0 : i32, i32
  }
  func.func @transform_3(%arg0: i32) -> (i32, i32) {
    %c0_i32 = arith.constant 0 : i32
    %c0_i32_0 = arith.constant 0 : i32
    %c0_i32_1 = arith.constant 0 : i32
    return %c0_i32, %c0_i32_0 : i32, i32
  }
  func.func @transform_4(%arg0: i32) -> (i32, i32, i32) {
    %c0_i32 = arith.constant 0 : i32
    %c0_i32_0 = arith.constant 0 : i32
    %c0_i32_1 = arith.constant 0 : i32
    return %arg0, %c0_i32, %c0_i32_0 : i32, i32, i32
  }
  func.func @transform_5(%arg0: i32) -> (i32, i32, i32) {
    %c0_i32 = arith.constant 0 : i32
    %c0_i32_0 = arith.constant 0 : i32
    %c0_i32_1 = arith.constant 0 : i32
    return %arg0, %c0_i32, %c0_i32_0 : i32, i32, i32
  }
}

module attributes {stable_mosaic.version = 14 : i64} {
  func.func @_finish_body(%arg0: i32, %arg1: memref<2x1x640x128xf32, #tpu.memory_space<vmem>>, %arg2: memref<1x640x128xf32, #tpu.memory_space<vmem>>, %arg3: memref<1x2x640xf32, #tpu.memory_space<vmem>>, %arg4: memref<1x128xf32, #tpu.memory_space<vmem>>, %arg5: memref<640x128xf32, #tpu.memory_space<vmem>>, %arg6: memref<640x128xf32, #tpu.memory_space<vmem>>) attributes {dimension_semantics = [#tpu.dimension_semantics<arbitrary>], iteration_bounds = array<i64: 16>, scalar_prefetch = 0 : i64, scratch_operands = 0 : i64, tpu.core_type = #tpu.core_type<tc>, window_params = [{transform_indices = @transform_0, window_bounds = array<i64: 2, 1, 640, 128>}, {transform_indices = @transform_1, window_bounds = array<i64: 1, 640, 128>}, {transform_indices = @transform_2, window_bounds = array<i64: 1, 2, 640>}, {pipeline_mode = #tpu.pipeline_mode<synchronous>, transform_indices = @transform_3, window_bounds = array<i64: 1, 128>}, {transform_indices = @transform_4, window_bounds = array<i64: 640, 128>}, {transform_indices = @transform_5, window_bounds = array<i64: 640, 128>}]} {
    %get3A = arith.constant 0 : index
    %get3A_0 = arith.constant 0 : index
    %get3A_1 = arith.constant 0 : index
    %get3A_2 = vector.load %arg3[%get3A, %get3A_0, %get3A_1] : memref<1x2x640xf32, #tpu.memory_space<vmem>>, vector<1x1x640xf32>
    %get3A_3 = vector.shape_cast %get3A_2 : vector<1x1x640xf32> to vector<640xf32>
    %get3A_4 = arith.constant 0 : index
    %get3A_5 = arith.constant 1 : index
    %get3A_6 = arith.constant 0 : index
    %get3A_7 = vector.load %arg3[%get3A_4, %get3A_5, %get3A_6] : memref<1x2x640xf32, #tpu.memory_space<vmem>>, vector<1x1x640xf32>
    %get3A_8 = vector.shape_cast %get3A_7 : vector<1x1x640xf32> to vector<640xf32>
    %add3A = arith.addf %get3A_3, %get3A_8 : vector<640xf32>
    %add3A_9 = arith.constant 2.000000e+00 : f32
    %add3A_10 = vector.broadcast %add3A_9 : f32 to vector<640xf32>
    %add3A_11 = arith.addf %add3A, %add3A_10 : vector<640xf32>
    %rsqrt3A = math.rsqrt %add3A_11 : vector<640xf32>
    %broadcast_in_dim3A = vector.shape_cast %rsqrt3A : vector<640xf32> to vector<640x1xf32>
    %get3A_12 = arith.constant 0 : index
    %get3A_13 = arith.constant 0 : index
    %get3A_14 = arith.constant 0 : index
    %get3A_15 = arith.constant 0 : index
    %get3A_16 = vector.load %arg1[%get3A_12, %get3A_13, %get3A_14, %get3A_15] : memref<2x1x640x128xf32, #tpu.memory_space<vmem>>, vector<1x1x640x128xf32>
    %get3A_17 = vector.shape_cast %get3A_16 : vector<1x1x640x128xf32> to vector<640x128xf32>
    %get3A_18 = arith.constant 1 : index
    %get3A_19 = arith.constant 0 : index
    %get3A_20 = arith.constant 0 : index
    %get3A_21 = arith.constant 0 : index
    %get3A_22 = vector.load %arg1[%get3A_18, %get3A_19, %get3A_20, %get3A_21] : memref<2x1x640x128xf32, #tpu.memory_space<vmem>>, vector<1x1x640x128xf32>
    %get3A_23 = vector.shape_cast %get3A_22 : vector<1x1x640x128xf32> to vector<640x128xf32>
    %get3A_24 = arith.constant 0 : index
    %get3A_25 = arith.constant 0 : index
    %get3A_26 = arith.constant 0 : index
    %get3A_27 = vector.load %arg2[%get3A_24, %get3A_25, %get3A_26] : memref<1x640x128xf32, #tpu.memory_space<vmem>>, vector<1x640x128xf32>
    %get3A_28 = vector.shape_cast %get3A_27 : vector<1x640x128xf32> to vector<640x128xf32>
    %add3A_29 = arith.addf %get3A_17, %get3A_23 : vector<640x128xf32>
    %mul3A = arith.constant 2.000000e+00 : f32
    %mul3A_30 = vector.broadcast %mul3A : f32 to vector<640x128xf32>
    %mul3A_31 = arith.mulf %mul3A_30, %get3A_28 : vector<640x128xf32>
    %add3A_32 = arith.addf %add3A_29, %mul3A_31 : vector<640x128xf32>
    %mul3A_33 = vector.broadcast %broadcast_in_dim3A : vector<640x1xf32> to vector<640x128xf32>
    %mul3A_34 = arith.mulf %add3A_32, %mul3A_33 : vector<640x128xf32>
    %get3A_35 = arith.constant 0 : index
    %get3A_36 = arith.constant 0 : index
    %get3A_37 = vector.load %arg4[%get3A_35, %get3A_36] : memref<1x128xf32, #tpu.memory_space<vmem>>, vector<1x128xf32>
    %add3A_38 = vector.broadcast %get3A_37 : vector<1x128xf32> to vector<640x128xf32>
    %add3A_39 = arith.addf %mul3A_34, %add3A_38 : vector<640x128xf32>
    %tanh3A = math.tanh %add3A_39 : vector<640x128xf32>
    %get3A_40 = arith.constant 0 : index
    %get3A_41 = arith.constant 0 : index
    %get3A_42 = vector.load %arg5[%get3A_40, %get3A_41] : memref<640x128xf32, #tpu.memory_space<vmem>>, vector<640x128xf32>
    %mul3A_43 = arith.mulf %tanh3A, %get3A_42 : vector<640x128xf32>
    %swap3A = arith.constant 0 : index
    %swap3A_44 = arith.constant 0 : index
    %swap3A_45 = vector.load %arg6[%swap3A, %swap3A_44] : memref<640x128xf32, #tpu.memory_space<vmem>>, vector<640x128xf32>
    tpu.vector_store %arg6[%swap3A, %swap3A_44], %mul3A_43 {strides = array<i32>} : memref<640x128xf32, #tpu.memory_space<vmem>>, vector<640x128xf32>,
    return
  }
  func.func @transform_0(%arg0: i32) -> (i32, i32, i32, i32) {
    %c0_i32 = arith.constant 0 : i32
    %c0_i32_0 = arith.constant 0 : i32
    %c0_i32_1 = arith.constant 0 : i32
    %c0_i32_2 = arith.constant 0 : i32
    return %c0_i32, %arg0, %c0_i32_0, %c0_i32_1 : i32, i32, i32, i32
  }
  func.func @transform_1(%arg0: i32) -> (i32, i32, i32) {
    %c0_i32 = arith.constant 0 : i32
    %c0_i32_0 = arith.constant 0 : i32
    %c0_i32_1 = arith.constant 0 : i32
    return %arg0, %c0_i32, %c0_i32_0 : i32, i32, i32
  }
  func.func @transform_2(%arg0: i32) -> (i32, i32, i32) {
    %c0_i32 = arith.constant 0 : i32
    %c0_i32_0 = arith.constant 0 : i32
    %c0_i32_1 = arith.constant 0 : i32
    return %arg0, %c0_i32, %c0_i32_0 : i32, i32, i32
  }
  func.func @transform_3(%arg0: i32) -> (i32, i32) {
    %c0_i32 = arith.constant 0 : i32
    %c0_i32_0 = arith.constant 0 : i32
    %c0_i32_1 = arith.constant 0 : i32
    return %c0_i32, %c0_i32_0 : i32, i32
  }
  func.func @transform_4(%arg0: i32) -> (i32, i32) {
    %c0_i32 = arith.constant 0 : i32
    %c0_i32_0 = arith.constant 0 : i32
    return %arg0, %c0_i32 : i32, i32
  }
  func.func @transform_5(%arg0: i32) -> (i32, i32) {
    %c0_i32 = arith.constant 0 : i32
    %c0_i32_0 = arith.constant 0 : i32
    return %arg0, %c0_i32 : i32, i32
  }
}

</mosaic_0001>

<sc_bundles>
// kernel: kernel.6.cloned.1.call-start
scs
__scs_entry_jumppad:
0x0: {  	(pc) =	sbr.rel $0x88, $3  }
0x1: {  	(tag) =	ssettag $0x0;
	lr =	simm.s32 $0x1  }
0x2: {  	[smem:$0x3F9B] =	sst lr;
	_ =	strace $0xD0000000  }
0x3: {  	_ = 	snop  }
0x4: {  	_ = 	snop  }
0x5: {  	_ = 	snop  }
0x6: {  	_ = 	snop  }
0x7: {  	_ = 	snop  }
__scs_overlays_trampoline_lowered:
0x8: {  	[smem:$0x3FAA] =	sst s0  }
0x9: {  	[smem:$0x3FAB] =	sst s1  }
0xa: {  	[smem:$0x3FAC] =	sst s2  }
0xb: {  	[smem:$0x3FAD] =	sst s3  }
0xc: {  	[smem:$0x3FAE] =	sst s4  }
0xd: {  	[smem:$0x3FAF] =	sst s5  }
0xe: {  	[smem:$0x3FB0] =	sst s6  }
0xf: {  	[smem:$0x3FB1] =	sst s7  }
0x10: {  	[smem:$0x3FB2] =	sst s8  }
0x11: {  	[smem:$0x3FB3] =	sst s9;
	s0 =	simm.s32 @!p0 $0x0  }
0x12: {  	s1 =	sld [smem:$0x3F99];
	s0 =	simm.s32 @p0 $0x1  }
0x13: {  	[smem:$0x3FB4] =	sst s0;
	s0 =	simm.s32 @!p1 $0x0  }
0x14: {  	s2 =	sld [smem:$0x3F98];
	s0 =	simm.s32 @p1 $0x1  }
0x15: {  	[smem:$0x3FB5] =	sst s0;
	s0 =	simm.s32 @!p2 $0x0  }
0x16: {  	s3 =	sld [smem:$0x3FDB];
	s0 =	simm.s32 @p2 $0x1  }
0x17: {  	s4 =	simm.s32 $0x1BF5;
	[smem:$0x3FB7] =	sst s0  }
0x18: {  	s0 =	sld [smem:$0x3F9A];
	_ =	swait.ge [sflag:s4], $0x0  }
0x19: {  	s7 =	sld [smem:$0x3F9B]  }
0x1a: {  	s8 =	sadd.s32 $0xFFFFE003, lr  }
0x1b: {  	s9 =	sadd.s32 $0xFFFFFEF7, lr;
	s5 =	simm.s32 $0xFFFFFFFF;
	p2 =	slt.u32 s8, $0xFFFFF086  }
0x1c: {  	p1 =	slt.u32 s9, $0xF7A;
	s5 =	simm.s32 @!p2 $0x0  }
0x1d: {  	s5 =	simm.s32 @p1 $0x1;
	p0 =	seq.s32 s7, s2  }
0x1e: {  	s7 =	smul.u32 @!p0 $0xF7A, s2;
	p2 =	seq.s32 @!p0 s5, $0x0  }
0x1f: {  	s9 =	smul.u32 $0xF7A, s1;
	s8 =	simm.s32 @!p0 $0x1BF5;
	p2 =	por !p2, p0  }
0x20: {  	[sflag:s8] =	ssyncset.s32 @!p0 $0xFFFFF086;
	s6 =	sadd.s32 @!p0 s3, s7;
	s7 =	simm.s32 @!p0 $0x108  }
0x21: {  	s3 =	sadd.s32 s3, s9;
	s6 =	sadd.s32 @!p0 $0x88, s6;
	s7 =	simm.s32 @p2 $0x1082  }
0x22: {  	[simem:s7], [sflag:s8] =	dma.local @!p0 [hbm:s6], $0xF7A  }
0x23: {  	s9 =	sor.u32 $0xD0000000, s2;
	s6 =	simm.s32 $0x108;
	_ =	swait.ge @!p0 [sflag:s8], $0x0  }
0x24: {  	s3 =	sadd.s32 $0x88, s3;
	s6 =	simm.s32 @!p1 $0x1082;
	[sflag:s4] =	ssyncset.s32 $0xFFFFF086  }
0x25: {  	[simem:s6], [sflag:s4] =	dma.local [hbm:s3], $0xF7A  }
0x26: {  	[smem:$0x3F9B] =	sst s1;
	(tag) =	ssettag s2;
	_ =	strace s9  }
0x27: {  	s1 =	sld [smem:$0x3FAB]  }
0x28: {  	s2 =	sld [smem:$0x3FAC]  }
0x29: {  	s4 =	sld [smem:$0x3FAE]  }
0x2a: {  	p0 =	seq.s32 s5, $0x0;
	s5 =	sld [smem:$0x3FAF]  }
0x2b: {  	s6 =	sld [smem:$0x3FB0]  }
0x2c: {  	s7 =	sld [smem:$0x3FB1]  }
0x2d: {  	s3 =	simm.s32 $0x108;
	s8 =	sld [smem:$0x3FB2]  }
0x2e: {  	s3 =	simm.s32 @!p0 $0x1082;
	s9 =	sld [smem:$0x3FB3]  }
0x2f: {  	lr =	sadd.s32 s0, s3;
	s0 =	sld [smem:$0x3FAA]  }
0x30: {  	s3 =	sld [smem:$0x3FAD]  }
0x31: {  	[smem:$0x3FB6] =	sst s10  }
0x32: {  	s10 =	sld [smem:$0x3FB4];
	_ =	sdelay $0x3  }
0x33: {  	p0 =	seq.s32 s10, $0x1;
	s10 =	sld [smem:$0x3FB6];
	_ =	sdelay $0x3  }
0x34: {  	[smem:$0x3FB6] =	sst s10  }
0x35: {  	s10 =	sld [smem:$0x3FB5];
	_ =	sdelay $0x3  }
0x36: {  	p1 =	seq.s32 s10, $0x1;
	s10 =	sld [smem:$0x3FB6];
	_ =	sdelay $0x3  }
0x37: {  	[smem:$0x3FB6] =	sst s10  }
0x38: {  	s10 =	sld [smem:$0x3FB7]  }
0x39: {  	_ = 	snop;
	(pc) =	sbr.ind lr, $3  }
0x3a: {  	_ = 	snop  }
0x3b: {  	_ = 	snop  }
0x3c: {  	p2 =	seq.s32 s10, $0x1;
	s10 =	sld [smem:$0x3FB6]  }
0x3d: {  	_ =	shalt  }
0x3e: {  	_ =	shalt  }
0x3f: {  	_ =	shalt  }
0x40: {  	_ =	shalt  }
0x41: {  	_ =	shalt  }
0x42: {  	_ =	shalt  }
0x43: {  	_ =	shalt  }
0x44: {  	_ =	shalt  }
0x45: {  	_ =	shalt  }
0x46: {  	_ =	shalt  }
0x47: {  	_ =	shalt  }
0x48: {  	_ =	shalt  }
0x49: {  	_ =	shalt  }
0x4a: {  	_ =	shalt  }
0x4b: {  	_ =	shalt  }
0x4c: {  	_ =	shalt  }
0x4d: {  	_ =	shalt  }
0x4e: {  	_ =	shalt  }
0x4f: {  	_ =	shalt  }
0x50: {  	_ =	shalt  }
0x51: {  	_ =	shalt  }
0x52: {  	_ =	shalt  }
0x53: {  	_ =	shalt  }
0x54: {  	_ =	shalt  }
0x55: {  	_ =	shalt  }
0x56: {  	_ =	shalt  }
0x57: {  	_ =	shalt  }
0x58: {  	_ =	shalt  }
0x59: {  	_ =	shalt  }
0x5a: {  	_ =	shalt  }
0x5b: {  	_ =	shalt  }
0x5c: {  	_ =	shalt  }
0x5d: {  	_ =	shalt  }
0x5e: {  	_ =	shalt  }
0x5f: {  	_ =	shalt  }
0x60: {  	_ =	shalt  }
0x61: {  	_ =	shalt  }
0x62: {  	_ =	shalt  }
0x63: {  	_ =	shalt  }
0x64: {  	_ =	shalt  }
0x65: {  	_ =	shalt  }
0x66: {  	_ =	shalt  }
0x67: {  	_ =	shalt  }
0x68: {  	_ =	shalt  }
0x69: {  	_ =	shalt  }
0x6a: {  	_ =	shalt  }
0x6b: {  	_ =	shalt  }
0x6c: {  	_ =	shalt  }
0x6d: {  	_ =	shalt  }
0x6e: {  	_ =	shalt  }
0x6f: {  	_ =	shalt  }
0x70: {  	_ =	shalt  }
0x71: {  	_ =	shalt  }
0x72: {  	_ =	shalt  }
0x73: {  	_ =	shalt  }
0x74: {  	_ =	shalt  }
0x75: {  	_ =	shalt  }
0x76: {  	_ =	shalt  }
0x77: {  	_ =	shalt  }
0x78: {  	_ =	shalt  }
0x79: {  	_ =	shalt  }
0x7a: {  	_ =	shalt  }
0x7b: {  	_ =	shalt  }
0x7c: {  	_ =	shalt  }
0x7d: {  	_ =	shalt  }
0x7e: {  	_ =	shalt  }
0x7f: {  	_ =	shalt  }
0x80: {  	_ =	shalt  }
0x81: {  	_ =	shalt  }
0x82: {  	_ =	shalt  }
0x83: {  	_ =	shalt  }
0x84: {  	_ =	shalt  }
0x85: {  	_ =	shalt  }
0x86: {  	_ =	shalt  }
0x87: {  	_ =	shalt  }
.Lfunc_end0:
.L_simem_size_0:
called_computation_lowered:
.L_overlay_start_0:
0x88: {  	s2 =	sld [smem:$0x3FD9]  }
0x89: {  	s3 =	sld [smem:$0x3FFE];
	_ =	sdelay $0x1  }
0x8a: {  	s1 =	srdreg.scid  }
0x8b: {  	s0 =	sand.u32 $0x1, s1  }
0x8c: {  	s17 =	sshll.u32 s0, $0xA;
	s2 =	sadd.s32 s3, s2  }
0x8d: {  	s2 =	sadd.s32 s2, s17  }
0x8e: {  	[smem:$0x3FC2] =	sst s2  }
0x8f: {  	_ = 	snop  }
0x90: {  	s2 =	sld [smem:$0x3FD0];
	(tm) =	ssettm $0x1  }
0x91: {  	s18 =	sld [smem:$0x3FFB];
	_ =	sdelay $0x3  }
0x92: {  	_ =	strace s18  }
0x93: {  	s3 =	sld [smem:$0x3FFC];
	_ =	sdelay $0x3  }
0x94: {  	_ =	strace s3  }
0x95: {  	s3 =	sld [smem:$0x3FFD];
	_ =	sdelay $0x3  }
0x96: {  	_ =	strace s3  }
0x97: {  	_ =	strace $0x8FFFFFFF  }
0x98: {  	s19 =	sld [smem:$0x3FDB];
	_ =	sdelay $0x1  }
0x99: {  	s4 =	simm.s32 $_scs_section_size  }
0x9a: {  	s5 =	simm.s32 $_size__tile_overlayer_lowered;
	s6 =	simm.s32 $_tile_overlayer_lowered  }
0x9b: {  	s22 =	simm.s32 $0x1BFF;
	s21 =	sshll.u32 s6, $0x1;
	s3 =	sadd.s32 s4, s19  }
0x9c: {  	s7 =	simm.s32 $0x0;
	s20 =	sshll.u32 s5, $0x1;
	s5 =	sadd.s32 s21, s3  }
0x9d: {  	[timem:s7], [sflag:s22] =	dma.local [hbm:s5], s20  }
0x9e: {  	_ =	swait.ge [sflag:s22], s20  }
0x9f: {  	s4 =	ssub.s32 $0x0, s20;
	[sflag:s22] =	ssyncset.done $0x0  }
0xa0: {  	[sflag:s22] =	ssyncadd.s32 s4;
	_ =	sdelay $0x1  }
0xa1: {  	s23 =	simm.s32 $0x1B8B  }
0xa2: {  	_ =	swait.ge [sflag:s23], $0x1  }
0xa3: {  	[sflag:s23] =	ssyncset.done $0x0  }
0xa4: {  	s25 =	simm.s32 $0x1B8E;
	s24 =	sld [smem:$0x3FFE];
	[sflag:s23] =	ssyncadd.s32 $0xFFFFFFFF  }
0xa5: {  	s26 =	simm.s32 $execute0_lowered;
	[smem:$0x3FD2] =	sst s25  }
0xa6: {  	s5 =	sshll.u32 s26, $0x1;
	_ =	strace $0x80000046;
	[dreg:$0x1] =	wrdreg $0xFFFFFFFF  }
0xa7: {  	s28 =	simm.s32 $_size_execute0_lowered;
	s3 =	sadd.s32 s3, s5;
	[dreg:$0x0] =	wrdreg $0x0  }
0xa8: {  	s5 =	sshll.u32 s28, $0x1;
	[dreg:$0x2] =	wrdreg s3  }
0xa9: {  	[dreg:$0x3] =	wrdreg s5  }
0xaa: {  	[dreg:$0x4] =	wrdreg $0xC0  }
0xab: {  	_ =	task [dreg:s7], $0x5FFFF  }
0xac: {  	[dreg:$0x1] =	wrdreg $0xFFFFFFFF  }
0xad: {  	[dreg:$0x0] =	wrdreg $0x60  }
0xae: {  	[dreg:$0x2] =	wrdreg s2  }
0xaf: {  	[dreg:$0x3] =	wrdreg s24  }
0xb0: {  	[dreg:$0x4] =	wrdreg $0x2B000  }
0xb1: {  	[dreg:$0x5] =	wrdreg $0x9  }
0xb2: {  	_ =	task.clear_ibuf [dreg:s7], $0x6FFFF;
	_ =	strace $0x90000046  }
0xb3: {  	s29 =	simm.s32 $0x9;
	_ =	strace $0x80000048  }
0xb4: {  	_ =	swait.ge [sflag:s29], $0x1  }
0xb5: {  	[sflag:s29] =	ssyncadd.s32 $0xFFFFFFFF  }
0xb6: {  	_ =	strace $0x90000048  }
0xb7: {  	_ =	sfence  }
0xb8: {  	s30 =	sld [smem:$0x0];
	_ =	sdelay $0x2  }
0xb9: {  	s31 =	sshll.u32 s1, $0xD;
	s1 =	sshrl.u32 s1, $0x2  }
0xba: {  	s3 =	sand.u32 $0x4000, s31;
	s1 =	sadd.s32 s1, s30  }
0xbb: {  	s0 =	sor.u32 s3, s0;
	s1 =	sshll.u32 s1, $0x11  }
0xbc: {  	s0 =	sor.u32 s1, s0  }
0xbd: {  	s0 =	sadd.s32 $0x8F2B, s0  }
0xbe: {  	[sflag:s0] =	ssyncadd.remote.s32 $0x1  }
0xbf: {  	_ =	sfence.sel $0xFFFF  }
0xc0: {  	[dreg:$0x0] =	wrdreg $0xFFFFFFFF;
	(pc) =	sbr.abs _section_cstart, $3  }
0xc1: {  	[dreg:$0x1] =	wrdreg $0xFFFFFFFF  }
0xc2: {  	_ =	task.clear_ibuf [dreg:s7], $0x2FFFF;
	_ =	strace $0x9FFFFFFF  }
0xc3: {  	(tm) =	ssettm $0x7FFFFFFF  }
tec
execute0_lowered:
.L_overlay_start_1:
0x0: {  	(tag) =	ssettag $0x1  }
0x1: {  	s3 =	rddreg [dreg:$0x0]  }
0x2: {  	s4 =	rddreg [dreg:$0x1]  }
0x3: {  	s1 =	rddreg [dreg:$0x2];
	s2 =	srdreg.scid  }
0x4: {  	s0 =	rddreg [dreg:$0x3];
	s10 =	stileid.u32  }
0x5: {  	s12 =	simm.s32 $0x0;
	s5 =	sand.u32 $0x1, s2;
	s2 =	simm.s32 $0x0  }
0x6: {  	s8 =	smul.u32 $0xA00, s10;
	p0 =	sne.s32 s10, $0x0;
	s6 =	sshll.u32 s5, $0x4  }
0x7: {  	[smem:$0x7FF] =	sst s2;
	s5 =	ssub.s32 $0x2, s5;
	s11 =	sshrl.u32 @!p0 s1, $0x3  }
0x8: {  	s7 =	sor.u32 s10, s6;
	_ =	strace $0x80000047;
	s6 =	sadd.s32 s6, s4  }
0x9: {  	s31 =	sshrl.u32 s5, $0x1;
	s8 =	sshrl.u32 s8, $0x2;
	s10 =	simm.s32 $0x2800  }
0xa: {  	s7 =	smul.u32 $0x500, s7;
	s9 =	ssub.s32 s5, s31;
	s4 =	sadd.s32 s8, s1  }
0xb: {  	s5 =	sadd.s32 $0x1E00, s6;
	s8 =	simm.s32 $0x2880;
	s6 =	smax.u32 s9, $0x1  }
0xc: {  	v0 =	vimm.f32 $1.000000000e+00;
	v1 =	vimm.f32 $0.0e+00;
	s9 =	simm.s32 $0x80;
	s3 =	sadd.s32 s3, s7;
	s7 =	simm.s32 $0x1  }
.LBB2_1:
0xd: {  	[tilespmem:s2], [sflag:$0x1] =	stream.linear.gather [hbm4b:s3+s2], $0x2800, $0x38;
	[tilespmem:$0x2D80] =	vst v63  }
0xe: {  	_ =	swait.ge [sflag:s7], $0x2800  }
0xf: {  	[sflag:s7] =	ssyncset.done $0x0  }
0x10: {  	[sflag:s7] =	ssyncadd.s32 $0xFFFFD800  }
0x11: {  	[tilespmem:$0x2800] =	vst v0  }
0x12: {  	[tilespmem:$0x2810] =	vst v0  }
0x13: {  	[tilespmem:$0x2820] =	vst v0  }
0x14: {  	[tilespmem:$0x2830] =	vst v0  }
0x15: {  	[tilespmem:$0x2840] =	vst v0  }
0x16: {  	[tilespmem:$0x2850] =	vst v0  }
0x17: {  	[tilespmem:$0x2860] =	vst v0  }
0x18: {  	[tilespmem:$0x2870] =	vst v0  }
0x19: {  	[tilespmem:$0x2880] =	vst v1  }
0x1a: {  	[tilespmem:$0x2890] =	vst v1  }
0x1b: {  	[tilespmem:$0x28A0] =	vst v1  }
0x1c: {  	[tilespmem:$0x28B0] =	vst v1  }
0x1d: {  	[tilespmem:$0x28C0] =	vst v1  }
0x1e: {  	[tilespmem:$0x28D0] =	vst v1  }
0x1f: {  	[tilespmem:$0x28E0] =	vst v1  }
0x20: {  	[tilespmem:$0x28F0] =	vst v1  }
0x21: {  	[tilespmem:$0x2900] =	vst v1  }
0x22: {  	[tilespmem:$0x2910] =	vst v1  }
0x23: {  	[tilespmem:$0x2920] =	vst v1  }
0x24: {  	[tilespmem:$0x2930] =	vst v1  }
0x25: {  	[tilespmem:$0x2940] =	vst v1  }
0x26: {  	[tilespmem:$0x2950] =	vst v1  }
0x27: {  	[tilespmem:$0x2960] =	vst v1  }
0x28: {  	[tilespmem:$0x2970] =	vst v1  }
0x29: {  	[tilespmem:$0x2980] =	vst v1  }
0x2a: {  	[tilespmem:$0x2990] =	vst v1  }
0x2b: {  	[tilespmem:$0x29A0] =	vst v1  }
0x2c: {  	[tilespmem:$0x29B0] =	vst v1  }
0x2d: {  	[tilespmem:$0x29C0] =	vst v1  }
0x2e: {  	[tilespmem:$0x29D0] =	vst v1  }
0x2f: {  	[tilespmem:$0x29E0] =	vst v1  }
0x30: {  	[tilespmem:$0x29F0] =	vst v1  }
0x31: {  	[tilespmem:$0x2A00] =	vst v1  }
0x32: {  	[tilespmem:$0x2A10] =	vst v1  }
0x33: {  	[tilespmem:$0x2A20] =	vst v1  }
0x34: {  	[tilespmem:$0x2A30] =	vst v1  }
0x35: {  	[tilespmem:$0x2A40] =	vst v1  }
0x36: {  	[tilespmem:$0x2A50] =	vst v1  }
0x37: {  	[tilespmem:$0x2A60] =	vst v1  }
0x38: {  	[tilespmem:$0x2A70] =	vst v1  }
0x39: {  	[tilespmem:$0x2A80] =	vst v1  }
0x3a: {  	[tilespmem:$0x2A90] =	vst v1  }
0x3b: {  	[tilespmem:$0x2AA0] =	vst v1  }
0x3c: {  	[tilespmem:$0x2AB0] =	vst v1  }
0x3d: {  	[tilespmem:$0x2AC0] =	vst v1  }
0x3e: {  	[tilespmem:$0x2AD0] =	vst v1  }
0x3f: {  	[tilespmem:$0x2AE0] =	vst v1  }
0x40: {  	[tilespmem:$0x2AF0] =	vst v1  }
0x41: {  	[spmem:s4] =	stream.linear.scatter [tilespmem:s8], [sflag:$0x1], $0x280, $0x38;
	[tilespmem:$0x2D80] =	vst v63  }
0x42: {  	_ =	swait.ge [sflag:s7], $0x280  }
0x43: {  	[sflag:s7] =	ssyncset.done $0x0  }
0x44: {  	[sflag:s7] =	ssyncadd.s32 $0xFFFFFD80  }
0x45: {  	s13 =	simm.s32 $0x0;
	[bflag:$0x0] =	sbarrier.arrive $0xFFFF  }
0x46: {  	[spmem:s1] =	stream.indirect.scatter.add.f32 [tilespmem:s10], [sflag:$0x1], $0x1, s13, s9, $0xb8;
	[tilespmem:$0x2D80] =	vst v63  }
0x47: {  	_ =	swait.ge [sflag:s7], $0x80  }
0x48: {  	s13 =	simm.s32 $0x200;
	[sflag:s7] =	ssyncset.done $0x0  }
.LBB2_2:
0x49: {  	s14 =	sshra.s32 s13, $0x2;
	[sflag:s7] =	ssyncadd.s32 $0xFFFFFF80;
	p1 =	sne.s32 s13, $0x9E00  }
0x4a: {  	[spmem:s1] =	stream.indirect.scatter.add.f32 [tilespmem:s10], [sflag:$0x1], $0x1, s14, s9, $0xb8;
	[tilespmem:$0x2D80] =	vst v63  }
.Ltmp0:
0x4b: {  	_ = 	snop;
	(pc) =	sbr.rel @p1 .LBB2_2-.Ltmp0, $4  }
0x4c: {  	_ = 	snop  }
0x4d: {  	s13 =	sadd.s32 $0x200, s13  }
0x4e: {  	_ =	swait.ge [sflag:s7], $0x80  }
0x4f: {  	[sflag:s7] =	ssyncset.done $0x0  }
0x50: {  	[sflag:s7] =	ssyncadd.s32 $0xFFFFFF80;
	s13 =	simm.s32 @!p0 $0x1;
	s12 =	sadd.s32 $0x1, s12  }
0x51: {  	s14 =	simm.s32 @!p0 $0x20;
	s15 =	simm.s32 @!p0 $0x10;
	p1 =	sne.s32 s12, s6  }
.Ltmp1:
0x52: {  	s16 =	simm.s32 @!p0 $0x1C01;
	[bflag:$0x0] =	sbarrier.arrive $0xFFFF;
	(pc) =	sbr.rel @p1 .LBB2_1-.Ltmp1, $4  }
0x53: {  	[hbm:s5@s14], [sflag:s16] =	dma.strided @!p0 [spmem:s11@s15], $0x500, s13, $0x10   }
0x54: {  	_ =	swait.ge @!p0 [sflag:s13], $0x500  }
0x55: {  	[sflag:s13] =	ssyncset.done @!p0 $0x0  }
0x56: {  	[sflag:s13] =	ssyncadd.s32 @!p0 $0xFFFFFB00  }
0x57: {  	_ =	sfence.sel $0x180000  }
0x58: {  	[bflag:$0x0] =	sbarrier.arrive $0xFFFF  }
0x59: {  	_ =	strace $0x90000047  }
0x5a: {  	s0 =	sadd.s32 @!p0 $0x100000, s0;
	[bflag:$0x2] =	sbarrier.arrive $0xFFFF  }
0x5b: {  	[sflag:s0] =	ssyncadd.tile.s32 @!p0 $0x1;
	_ =	shalt  }
.Lfunc_end2:
_tile_overlayer_lowered:
.L_overlay_start_2:
0x5c: {  	(tag) =	ssettag $0x2  }
0x5d: {  	s0 =	rddreg [dreg:$0x0];
	s2 =	stileid.u32  }
0x5e: {  	s1 =	rddreg [dreg:$0x1];
	p0 =	sne.s32 s2, $0x0  }
0x5f: {  	s3 =	rddreg [dreg:$0x2];
	[bflag:$0x3] =	sbarrier.arrive $0xFFFF;
	s2 =	simm.s32 @!p0 $0x1C01  }
0x60: {  	[timem:s3], [sflag:s2] =	dma.local @!p0 [hbm:s0], s1  }
0x61: {  	s0 =	simm.s32 @!p0 $0x1  }
0x62: {  	_ =	swait.ge @!p0 [sflag:s0], s1  }
0x63: {  	s1 =	ssub.s32 @!p0 $0x0, s1;
	[sflag:s0] =	ssyncset.done @!p0 $0x0  }
0x64: {  	[sflag:s0] =	ssyncadd.s32 @!p0 s1  }
0x65: {  	[bflag:$0x3] =	sbarrier.arrive $0xFFFF  }
0x66: {  	_ =	shalt  }

// kernel: kernel.9.cloned.1.call-start
scs
__scs_entry_jumppad:
0x0: {  	(pc) =	sbr.rel $0x88, $3  }
0x1: {  	(tag) =	ssettag $0x0;
	lr =	simm.s32 $0x1  }
0x2: {  	[smem:$0x3F9B] =	sst lr;
	_ =	strace $0xD0000000  }
0x3: {  	_ = 	snop  }
0x4: {  	_ = 	snop  }
0x5: {  	_ = 	snop  }
0x6: {  	_ = 	snop  }
0x7: {  	_ = 	snop  }
__scs_overlays_trampoline_lowered:
0x8: {  	[smem:$0x3FAA] =	sst s0  }
0x9: {  	[smem:$0x3FAB] =	sst s1  }
0xa: {  	[smem:$0x3FAC] =	sst s2  }
0xb: {  	[smem:$0x3FAD] =	sst s3  }
0xc: {  	[smem:$0x3FAE] =	sst s4  }
0xd: {  	[smem:$0x3FAF] =	sst s5  }
0xe: {  	[smem:$0x3FB0] =	sst s6  }
0xf: {  	[smem:$0x3FB1] =	sst s7  }
0x10: {  	[smem:$0x3FB2] =	sst s8  }
0x11: {  	[smem:$0x3FB3] =	sst s9;
	s0 =	simm.s32 @!p0 $0x0  }
0x12: {  	s1 =	sld [smem:$0x3F99];
	s0 =	simm.s32 @p0 $0x1  }
0x13: {  	[smem:$0x3FB4] =	sst s0;
	s0 =	simm.s32 @!p1 $0x0  }
0x14: {  	s2 =	sld [smem:$0x3F98];
	s0 =	simm.s32 @p1 $0x1  }
0x15: {  	[smem:$0x3FB5] =	sst s0;
	s0 =	simm.s32 @!p2 $0x0  }
0x16: {  	s3 =	sld [smem:$0x3FDB];
	s0 =	simm.s32 @p2 $0x1  }
0x17: {  	s4 =	simm.s32 $0x1BF5;
	[smem:$0x3FB7] =	sst s0  }
0x18: {  	s0 =	sld [smem:$0x3F9A];
	_ =	swait.ge [sflag:s4], $0x0  }
0x19: {  	s7 =	sld [smem:$0x3F9B]  }
0x1a: {  	s8 =	sadd.s32 $0xFFFFE003, lr  }
0x1b: {  	s9 =	sadd.s32 $0xFFFFFEF7, lr;
	s5 =	simm.s32 $0xFFFFFFFF;
	p2 =	slt.u32 s8, $0xFFFFF086  }
0x1c: {  	p1 =	slt.u32 s9, $0xF7A;
	s5 =	simm.s32 @!p2 $0x0  }
0x1d: {  	s5 =	simm.s32 @p1 $0x1;
	p0 =	seq.s32 s7, s2  }
0x1e: {  	s7 =	smul.u32 @!p0 $0xF7A, s2;
	p2 =	seq.s32 @!p0 s5, $0x0  }
0x1f: {  	s9 =	smul.u32 $0xF7A, s1;
	s8 =	simm.s32 @!p0 $0x1BF5;
	p2 =	por !p2, p0  }
0x20: {  	[sflag:s8] =	ssyncset.s32 @!p0 $0xFFFFF086;
	s6 =	sadd.s32 @!p0 s3, s7;
	s7 =	simm.s32 @!p0 $0x108  }
0x21: {  	s3 =	sadd.s32 s3, s9;
	s6 =	sadd.s32 @!p0 $0x88, s6;
	s7 =	simm.s32 @p2 $0x1082  }
0x22: {  	[simem:s7], [sflag:s8] =	dma.local @!p0 [hbm:s6], $0xF7A  }
0x23: {  	s9 =	sor.u32 $0xD0000000, s2;
	s6 =	simm.s32 $0x108;
	_ =	swait.ge @!p0 [sflag:s8], $0x0  }
0x24: {  	s3 =	sadd.s32 $0x88, s3;
	s6 =	simm.s32 @!p1 $0x1082;
	[sflag:s4] =	ssyncset.s32 $0xFFFFF086  }
0x25: {  	[simem:s6], [sflag:s4] =	dma.local [hbm:s3], $0xF7A  }
0x26: {  	[smem:$0x3F9B] =	sst s1;
	(tag) =	ssettag s2;
	_ =	strace s9  }
0x27: {  	s1 =	sld [smem:$0x3FAB]  }
0x28: {  	s2 =	sld [smem:$0x3FAC]  }
0x29: {  	s4 =	sld [smem:$0x3FAE]  }
0x2a: {  	p0 =	seq.s32 s5, $0x0;
	s5 =	sld [smem:$0x3FAF]  }
0x2b: {  	s6 =	sld [smem:$0x3FB0]  }
0x2c: {  	s7 =	sld [smem:$0x3FB1]  }
0x2d: {  	s3 =	simm.s32 $0x108;
	s8 =	sld [smem:$0x3FB2]  }
0x2e: {  	s3 =	simm.s32 @!p0 $0x1082;
	s9 =	sld [smem:$0x3FB3]  }
0x2f: {  	lr =	sadd.s32 s0, s3;
	s0 =	sld [smem:$0x3FAA]  }
0x30: {  	s3 =	sld [smem:$0x3FAD]  }
0x31: {  	[smem:$0x3FB6] =	sst s10  }
0x32: {  	s10 =	sld [smem:$0x3FB4];
	_ =	sdelay $0x3  }
0x33: {  	p0 =	seq.s32 s10, $0x1;
	s10 =	sld [smem:$0x3FB6];
	_ =	sdelay $0x3  }
0x34: {  	[smem:$0x3FB6] =	sst s10  }
0x35: {  	s10 =	sld [smem:$0x3FB5];
	_ =	sdelay $0x3  }
0x36: {  	p1 =	seq.s32 s10, $0x1;
	s10 =	sld [smem:$0x3FB6];
	_ =	sdelay $0x3  }
0x37: {  	[smem:$0x3FB6] =	sst s10  }
0x38: {  	s10 =	sld [smem:$0x3FB7]  }
0x39: {  	_ = 	snop;
	(pc) =	sbr.ind lr, $3  }
0x3a: {  	_ = 	snop  }
0x3b: {  	_ = 	snop  }
0x3c: {  	p2 =	seq.s32 s10, $0x1;
	s10 =	sld [smem:$0x3FB6]  }
0x3d: {  	_ =	shalt  }
0x3e: {  	_ =	shalt  }
0x3f: {  	_ =	shalt  }
0x40: {  	_ =	shalt  }
0x41: {  	_ =	shalt  }
0x42: {  	_ =	shalt  }
0x43: {  	_ =	shalt  }
0x44: {  	_ =	shalt  }
0x45: {  	_ =	shalt  }
0x46: {  	_ =	shalt  }
0x47: {  	_ =	shalt  }
0x48: {  	_ =	shalt  }
0x49: {  	_ =	shalt  }
0x4a: {  	_ =	shalt  }
0x4b: {  	_ =	shalt  }
0x4c: {  	_ =	shalt  }
0x4d: {  	_ =	shalt  }
0x4e: {  	_ =	shalt  }
0x4f: {  	_ =	shalt  }
0x50: {  	_ =	shalt  }
0x51: {  	_ =	shalt  }
0x52: {  	_ =	shalt  }
0x53: {  	_ =	shalt  }
0x54: {  	_ =	shalt  }
0x55: {  	_ =	shalt  }
0x56: {  	_ =	shalt  }
0x57: {  	_ =	shalt  }
0x58: {  	_ =	shalt  }
0x59: {  	_ =	shalt  }
0x5a: {  	_ =	shalt  }
0x5b: {  	_ =	shalt  }
0x5c: {  	_ =	shalt  }
0x5d: {  	_ =	shalt  }
0x5e: {  	_ =	shalt  }
0x5f: {  	_ =	shalt  }
0x60: {  	_ =	shalt  }
0x61: {  	_ =	shalt  }
0x62: {  	_ =	shalt  }
0x63: {  	_ =	shalt  }
0x64: {  	_ =	shalt  }
0x65: {  	_ =	shalt  }
0x66: {  	_ =	shalt  }
0x67: {  	_ =	shalt  }
0x68: {  	_ =	shalt  }
0x69: {  	_ =	shalt  }
0x6a: {  	_ =	shalt  }
0x6b: {  	_ =	shalt  }
0x6c: {  	_ =	shalt  }
0x6d: {  	_ =	shalt  }
0x6e: {  	_ =	shalt  }
0x6f: {  	_ =	shalt  }
0x70: {  	_ =	shalt  }
0x71: {  	_ =	shalt  }
0x72: {  	_ =	shalt  }
0x73: {  	_ =	shalt  }
0x74: {  	_ =	shalt  }
0x75: {  	_ =	shalt  }
0x76: {  	_ =	shalt  }
0x77: {  	_ =	shalt  }
0x78: {  	_ =	shalt  }
0x79: {  	_ =	shalt  }
0x7a: {  	_ =	shalt  }
0x7b: {  	_ =	shalt  }
0x7c: {  	_ =	shalt  }
0x7d: {  	_ =	shalt  }
0x7e: {  	_ =	shalt  }
0x7f: {  	_ =	shalt  }
0x80: {  	_ =	shalt  }
0x81: {  	_ =	shalt  }
0x82: {  	_ =	shalt  }
0x83: {  	_ =	shalt  }
0x84: {  	_ =	shalt  }
0x85: {  	_ =	shalt  }
0x86: {  	_ =	shalt  }
0x87: {  	_ =	shalt  }
.Lfunc_end0:
.L_simem_size_0:
called_computation.1_lowered:
.L_overlay_start_0:
0x88: {  	s2 =	sld [smem:$0x3FD9]  }
0x89: {  	s3 =	sld [smem:$0x3FFE];
	_ =	sdelay $0x1  }
0x8a: {  	s1 =	srdreg.scid  }
0x8b: {  	s0 =	sand.u32 $0x1, s1  }
0x8c: {  	s17 =	sshll.u32 s0, $0xA;
	s2 =	sadd.s32 s3, s2  }
0x8d: {  	s2 =	sadd.s32 s2, s17  }
0x8e: {  	[smem:$0x3FC2] =	sst s2  }
0x8f: {  	_ = 	snop  }
0x90: {  	s2 =	sld [smem:$0x3FD0];
	(tm) =	ssettm $0x1  }
0x91: {  	s18 =	sld [smem:$0x3FFB];
	_ =	sdelay $0x3  }
0x92: {  	_ =	strace s18  }
0x93: {  	s3 =	sld [smem:$0x3FFC];
	_ =	sdelay $0x3  }
0x94: {  	_ =	strace s3  }
0x95: {  	s3 =	sld [smem:$0x3FFD];
	_ =	sdelay $0x3  }
0x96: {  	_ =	strace s3  }
0x97: {  	_ =	strace $0x8FFFFFFF  }
0x98: {  	s19 =	sld [smem:$0x3FDB];
	_ =	sdelay $0x1  }
0x99: {  	s4 =	simm.s32 $_scs_section_size  }
0x9a: {  	s5 =	simm.s32 $_size__tile_overlayer_lowered;
	s6 =	simm.s32 $_tile_overlayer_lowered  }
0x9b: {  	s22 =	simm.s32 $0x1BFF;
	s21 =	sshll.u32 s6, $0x1;
	s3 =	sadd.s32 s4, s19  }
0x9c: {  	s7 =	simm.s32 $0x0;
	s20 =	sshll.u32 s5, $0x1;
	s5 =	sadd.s32 s21, s3  }
0x9d: {  	[timem:s7], [sflag:s22] =	dma.local [hbm:s5], s20  }
0x9e: {  	_ =	swait.ge [sflag:s22], s20  }
0x9f: {  	s4 =	ssub.s32 $0x0, s20;
	[sflag:s22] =	ssyncset.done $0x0  }
0xa0: {  	[sflag:s22] =	ssyncadd.s32 s4;
	_ =	sdelay $0x1  }
0xa1: {  	s23 =	simm.s32 $0x1B8B  }
0xa2: {  	_ =	swait.ge [sflag:s23], $0x1  }
0xa3: {  	[sflag:s23] =	ssyncset.done $0x0  }
0xa4: {  	s25 =	simm.s32 $0x1B8E;
	s24 =	sld [smem:$0x3FFE];
	[sflag:s23] =	ssyncadd.s32 $0xFFFFFFFF  }
0xa5: {  	s26 =	simm.s32 $execute0_lowered;
	[smem:$0x3FD2] =	sst s25  }
0xa6: {  	s5 =	sshll.u32 s26, $0x1;
	_ =	strace $0x80000049;
	[dreg:$0x1] =	wrdreg $0xFFFFFFFF  }
0xa7: {  	s28 =	simm.s32 $_size_execute0_lowered;
	s3 =	sadd.s32 s3, s5;
	[dreg:$0x0] =	wrdreg $0x0  }
0xa8: {  	s5 =	sshll.u32 s28, $0x1;
	[dreg:$0x2] =	wrdreg s3  }
0xa9: {  	[dreg:$0x3] =	wrdreg s5  }
0xaa: {  	[dreg:$0x4] =	wrdreg $0xC0  }
0xab: {  	_ =	task [dreg:s7], $0x5FFFF  }
0xac: {  	[dreg:$0x1] =	wrdreg $0xFFFFFFFF  }
0xad: {  	[dreg:$0x0] =	wrdreg $0x60  }
0xae: {  	[dreg:$0x2] =	wrdreg s24  }
0xaf: {  	[dreg:$0x3] =	wrdreg s2  }
0xb0: {  	[dreg:$0x4] =	wrdreg $0xA8000  }
0xb1: {  	[dreg:$0x5] =	wrdreg $0x9  }
0xb2: {  	_ =	task.clear_ibuf [dreg:s7], $0x6FFFF;
	_ =	strace $0x90000049  }
0xb3: {  	s29 =	simm.s32 $0x9;
	_ =	strace $0x8000004B  }
0xb4: {  	_ =	swait.ge [sflag:s29], $0x1  }
0xb5: {  	[sflag:s29] =	ssyncadd.s32 $0xFFFFFFFF  }
0xb6: {  	_ =	strace $0x9000004B  }
0xb7: {  	_ =	sfence  }
0xb8: {  	s30 =	sld [smem:$0x0];
	_ =	sdelay $0x2  }
0xb9: {  	s31 =	sshll.u32 s1, $0xD;
	s1 =	sshrl.u32 s1, $0x2  }
0xba: {  	s3 =	sand.u32 $0x4000, s31;
	s1 =	sadd.s32 s1, s30  }
0xbb: {  	s0 =	sor.u32 s3, s0;
	s1 =	sshll.u32 s1, $0x11  }
0xbc: {  	s0 =	sor.u32 s1, s0  }
0xbd: {  	s0 =	sadd.s32 $0x8F2B, s0  }
0xbe: {  	[sflag:s0] =	ssyncadd.remote.s32 $0x1  }
0xbf: {  	_ =	sfence.sel $0xFFFF  }
0xc0: {  	[dreg:$0x0] =	wrdreg $0xFFFFFFFF;
	(pc) =	sbr.abs _section_cstart, $3  }
0xc1: {  	[dreg:$0x1] =	wrdreg $0xFFFFFFFF  }
0xc2: {  	_ =	task.clear_ibuf [dreg:s7], $0x2FFFF;
	_ =	strace $0x9FFFFFFF  }
0xc3: {  	(tm) =	ssettm $0x7FFFFFFF  }
tec
execute0_lowered:
.L_overlay_start_1:
0x0: {  	(tag) =	ssettag $0x1  }
0x1: {  	s6 =	rddreg [dreg:$0x0]  }
0x2: {  	s1 =	rddreg [dreg:$0x1]  }
0x3: {  	s2 =	rddreg [dreg:$0x2]  }
0x4: {  	s3 =	srdreg.scid;
	s0 =	rddreg [dreg:$0x3];
	s4 =	simm.s32 $0x0  }
0x5: {  	s16 =	simm.s32 $0x80;
	s17 =	simm.s32 $0x2800;
	s18 =	simm.s32 $0x6800  }
0x6: {  	s19 =	simm.s32 $0x1;
	s20 =	simm.s32 $0x2;
	s21 =	simm.s32 $0x2700  }
0x7: {  	s22 =	simm.s32 $0x2780;
	s23 =	simm.s32 $0x0;
	s7 =	sand.u32 $0x1, s3  }
0x8: {  	s3 =	stileid.u32;
	[smem:$0x7FF] =	sst s4;
	s5 =	sadd.s32 $0x16800, s6  }
0x9: {  	s10 =	sadd.s32 $0x2800, s6;
	s11 =	sadd.s32 $0xC800, s6;
	s8 =	smul.u32 $0x140000, s7  }
0xa: {  	s9 =	smul.u32 $0x14000, s3;
	_ =	strace $0x8000004A;
	s25 =	sshll.u32 s7, $0x4  }
0xb: {  	s7 =	ssub.s32 $0x2, s7;
	s12 =	smul.u32 $0x50000, s3;
	s30 =	sshll.u32 s3, $0x6  }
0xc: {  	s26 =	sshrl.u32 s7, $0x1;
	s8 =	sadd.s32 s9, s8;
	s9 =	sor.u32 s3, s25  }
0xd: {  	s14 =	ssub.s32 s7, s26;
	s29 =	sshrl.u32 s12, $0x2;
	s28 =	smul.u32 $0x2800, s9  }
0xe: {  	s8 =	sshrl.u32 s8, $0x3;
	s15 =	sadd.s32 s29, s2;
	s12 =	smax.u32 s14, $0x1  }
0xf: {  	s14 =	simm.s32 $0x3;
	s13 =	sadd.s32 s8, s6;
	s9 =	sshrl.u32 s28, $0x3  }
0x10: {  	s6 =	sor.u32 $0x1C03, s30;
	s7 =	sadd.s32 s10, s9;
	s31 =	sadd.s32 $0x280, s9  }
0x11: {  	s8 =	sadd.s32 s11, s9;
	s9 =	sadd.s32 s10, s31;
	s10 =	sadd.s32 s11, s31  }
0x12: {  	s11 =	sadd.s32 $0x3E800, s13;
	s13 =	sshrl.u32 s15, $0x3;
	s15 =	simm.s32 $0x1400  }
.LBB2_1:
0x13: {  	[spmem:s13], [sflag:s6] =	dma.local [hbm:s1], $0x2800  }
0x14: {  	_ =	swait.ge [sflag:s14], $0x2800  }
0x15: {  	[sflag:s14] =	ssyncset.done $0x0  }
0x16: {  	[sflag:s14] =	ssyncadd.s32 $0xFFFFD800  }
0x17: {  	[bflag:$0x0] =	sbarrier.arrive $0xFFFF  }
0x18: {  	[tilespmem:s4], [sflag:$0x3] =	stream.linear.gather [hbm4b:s7+s4], $0x1400, $0x38;
	[tilespmem:$0x1E800] =	vst v63  }
0x19: {  	_ =	swait.ge [sflag:s14], $0x1400  }
0x1a: {  	[sflag:s14] =	ssyncset.done $0x0  }
0x1b: {  	[sflag:s14] =	ssyncadd.s32 $0xFFFFEC00  }
0x1c: {  	[tilespmem:s15], [sflag:$0x3] =	stream.linear.gather [hbm4b:s8+s4], $0x1400, $0x38;
	[tilespmem:$0x1E800] =	vst v63  }
0x1d: {  	_ =	swait.ge [sflag:s14], $0x1400  }
0x1e: {  	[sflag:s14] =	ssyncset.done $0x0  }
0x1f: {  	[sflag:s14] =	ssyncadd.s32 $0xFFFFEC00  }
0x20: {  	[tilespmem:s17], [sflag:$0x1] =	stream.indirect.gather [hbm4b:s5+s16], $0x80, s4, s16, $0xb8;
	[tilespmem:$0x1E800] =	vst v63  }
0x21: {  	_ = 	snop  }
0x22: {  	[tilespmem:s18], [sflag:$0x2] =	stream.indirect.gather [hbm4b:s5+s16], $0x80, s16, s16, $0xb8;
	[tilespmem:$0x1E800] =	vst v63  }
0x23: {  	_ =	swait.ge [sflag:s19], $0x4000  }
0x24: {  	[sflag:s19] =	ssyncset.done $0x0  }
0x25: {  	s24 =	simm.s32 $0x1400;
	[sflag:s19] =	ssyncadd.s32 $0xFFFFC000  }
0x26: {  	[spmem:s2] =	stream.indirect.scatter.add.f32 [tilespmem:s17], [sflag:$0x3], $0x80, s24, s16, $0xb8;
	[tilespmem:$0x1E800] =	vst v63  }
0x27: {  	_ =	swait.ge [sflag:s14], $0x4000  }
0x28: {  	[sflag:s14] =	ssyncset.done $0x0  }
0x29: {  	s30 =	simm.s32 $0x100;
	[sflag:s14] =	ssyncadd.s32 $0xFFFFC000  }
0x2a: {  	[tilespmem:s17], [sflag:$0x1] =	stream.indirect.gather [hbm4b:s5+s16], $0x80, s30, s16, $0xb8;
	[tilespmem:$0x1E800] =	vst v63  }
0x2b: {  	_ =	swait.ge [sflag:s20], $0x4000  }
0x2c: {  	[sflag:s20] =	ssyncset.done $0x0  }
0x2d: {  	s31 =	simm.s32 $0x1480;
	[sflag:s20] =	ssyncadd.s32 $0xFFFFC000  }
0x2e: {  	[spmem:s2] =	stream.indirect.scatter.add.f32 [tilespmem:s18], [sflag:$0x3], $0x80, s31, s16, $0xb8;
	[tilespmem:$0x1E800] =	vst v63  }
0x2f: {  	_ =	swait.ge [sflag:s14], $0x4000  }
0x30: {  	[sflag:s14] =	ssyncset.done $0x0  }
0x31: {  	s25 =	simm.s32 $0x180;
	s24 =	simm.s32 $0x400;
	[sflag:s14] =	ssyncadd.s32 $0xFFFFC000  }
.LBB2_2:
0x32: {  	[tilespmem:s18], [sflag:$0x2] =	stream.indirect.gather [hbm4b:s5+s16], $0x80, s25, s16, $0xb8;
	[tilespmem:$0x1E800] =	vst v63  }
0x33: {  	s25 =	smov.u32 s24  }
0x34: {  	p0 =	sne.s32 s24, $0x4800;
	s24 =	sadd.s32 $0x400, s24;
	_ =	swait.ge [sflag:s19], $0x4000  }
0x35: {  	s25 =	sshra.s32 s25, $0x2;
	[sflag:s19] =	ssyncset.done $0x0  }
0x36: {  	s26 =	sadd.s32 $0x1400, s25;
	[sflag:s19] =	ssyncadd.s32 $0xFFFFC000  }
0x37: {  	[spmem:s2] =	stream.indirect.scatter.add.f32 [tilespmem:s17], [sflag:$0x3], $0x80, s26, s16, $0xb8;
	[tilespmem:$0x1E800] =	vst v63  }
0x38: {  	_ =	swait.ge [sflag:s14], $0x4000  }
0x39: {  	[sflag:s14] =	ssyncset.done $0x0  }
0x3a: {  	s26 =	sadd.s32 $0x100, s25;
	[sflag:s14] =	ssyncadd.s32 $0xFFFFC000  }
0x3b: {  	[tilespmem:s17], [sflag:$0x1] =	stream.indirect.gather [hbm4b:s5+s16], $0x80, s26, s16, $0xb8;
	[tilespmem:$0x1E800] =	vst v63  }
0x3c: {  	_ =	swait.ge [sflag:s20], $0x4000  }
0x3d: {  	[sflag:s20] =	ssyncset.done $0x0  }
.Ltmp0:
0x3e: {  	s26 =	sadd.s32 $0x1480, s25;
	[sflag:s20] =	ssyncadd.s32 $0xFFFFC000;
	(pc) =	sbr.rel @p0 .LBB2_2-.Ltmp0, $4  }
0x3f: {  	[spmem:s2] =	stream.indirect.scatter.add.f32 [tilespmem:s18], [sflag:$0x3], $0x80, s26, s16, $0xb8;
	[tilespmem:$0x1E800] =	vst v63  }
0x40: {  	_ =	swait.ge [sflag:s14], $0x4000  }
0x41: {  	[sflag:s14] =	ssyncset.done $0x0  }
0x42: {  	s25 =	sadd.s32 $0x180, s25;
	[sflag:s14] =	ssyncadd.s32 $0xFFFFC000  }
0x43: {  	[tilespmem:s18], [sflag:$0x2] =	stream.indirect.gather [hbm4b:s5+s16], $0x80, s25, s16, $0xb8;
	[tilespmem:$0x1E800] =	vst v63  }
0x44: {  	_ =	swait.ge [sflag:s19], $0x4000  }
0x45: {  	[sflag:s19] =	ssyncset.done $0x0  }
0x46: {  	[sflag:s19] =	ssyncadd.s32 $0xFFFFC000  }
0x47: {  	[spmem:s2] =	stream.indirect.scatter.add.f32 [tilespmem:s17], [sflag:$0x3], $0x80, s21, s16, $0xb8;
	[tilespmem:$0x1E800] =	vst v63  }
0x48: {  	_ =	swait.ge [sflag:s14], $0x4000  }
0x49: {  	[sflag:s14] =	ssyncset.done $0x0  }
0x4a: {  	[sflag:s14] =	ssyncadd.s32 $0xFFFFC000  }
0x4b: {  	_ =	swait.ge [sflag:s20], $0x4000  }
0x4c: {  	[sflag:s20] =	ssyncset.done $0x0  }
0x4d: {  	[sflag:s20] =	ssyncadd.s32 $0xFFFFC000  }
0x4e: {  	[spmem:s2] =	stream.indirect.scatter.add.f32 [tilespmem:s18], [sflag:$0x3], $0x80, s22, s16, $0xb8;
	[tilespmem:$0x1E800] =	vst v63  }
0x4f: {  	_ =	swait.ge [sflag:s14], $0x4000  }
0x50: {  	[sflag:s14] =	ssyncset.done $0x0  }
0x51: {  	s24 =	simm.s32 $0x0;
	[sflag:s14] =	ssyncadd.s32 $0xFFFFC000  }
0x52: {  	[tilespmem:s24], [sflag:$0x3] =	stream.linear.gather [hbm4b:s9+s24], $0x1400, $0x38;
	[tilespmem:$0x1E800] =	vst v63  }
0x53: {  	_ =	swait.ge [sflag:s14], $0x1400  }
0x54: {  	[sflag:s14] =	ssyncset.done $0x0  }
0x55: {  	[sflag:s14] =	ssyncadd.s32 $0xFFFFEC00  }
0x56: {  	[tilespmem:s15], [sflag:$0x3] =	stream.linear.gather [hbm4b:s10+s24], $0x1400, $0x38;
	[tilespmem:$0x1E800] =	vst v63  }
0x57: {  	_ =	swait.ge [sflag:s14], $0x1400  }
0x58: {  	[sflag:s14] =	ssyncset.done $0x0  }
0x59: {  	[sflag:s14] =	ssyncadd.s32 $0xFFFFEC00  }
0x5a: {  	[tilespmem:s17], [sflag:$0x1] =	stream.indirect.gather [hbm4b:s5+s16], $0x80, s24, s16, $0xb8;
	[tilespmem:$0x1E800] =	vst v63  }
0x5b: {  	_ = 	snop  }
0x5c: {  	[tilespmem:s18], [sflag:$0x2] =	stream.indirect.gather [hbm4b:s5+s16], $0x80, s16, s16, $0xb8;
	[tilespmem:$0x1E800] =	vst v63  }
0x5d: {  	_ =	swait.ge [sflag:s19], $0x4000  }
0x5e: {  	[sflag:s19] =	ssyncset.done $0x0  }
0x5f: {  	s29 =	simm.s32 $0x1400;
	[sflag:s19] =	ssyncadd.s32 $0xFFFFC000  }
0x60: {  	[spmem:s2] =	stream.indirect.scatter.add.f32 [tilespmem:s17], [sflag:$0x3], $0x80, s29, s16, $0xb8;
	[tilespmem:$0x1E800] =	vst v63  }
0x61: {  	_ =	swait.ge [sflag:s14], $0x4000  }
0x62: {  	[sflag:s14] =	ssyncset.done $0x0  }
0x63: {  	s30 =	simm.s32 $0x100;
	[sflag:s14] =	ssyncadd.s32 $0xFFFFC000  }
0x64: {  	[tilespmem:s17], [sflag:$0x1] =	stream.indirect.gather [hbm4b:s5+s16], $0x80, s30, s16, $0xb8;
	[tilespmem:$0x1E800] =	vst v63  }
0x65: {  	_ =	swait.ge [sflag:s20], $0x4000  }
0x66: {  	[sflag:s20] =	ssyncset.done $0x0  }
0x67: {  	s31 =	simm.s32 $0x1480;
	[sflag:s20] =	ssyncadd.s32 $0xFFFFC000  }
0x68: {  	[spmem:s2] =	stream.indirect.scatter.add.f32 [tilespmem:s18], [sflag:$0x3], $0x80, s31, s16, $0xb8;
	[tilespmem:$0x1E800] =	vst v63  }
0x69: {  	_ =	swait.ge [sflag:s14], $0x4000  }
0x6a: {  	[sflag:s14] =	ssyncset.done $0x0  }
0x6b: {  	s25 =	simm.s32 $0x180;
	s24 =	simm.s32 $0x400;
	[sflag:s14] =	ssyncadd.s32 $0xFFFFC000  }
.LBB2_4:
0x6c: {  	[tilespmem:s18], [sflag:$0x2] =	stream.indirect.gather [hbm4b:s5+s16], $0x80, s25, s16, $0xb8;
	[tilespmem:$0x1E800] =	vst v63  }
0x6d: {  	s25 =	smov.u32 s24  }
0x6e: {  	p0 =	sne.s32 s24, $0x4800;
	s24 =	sadd.s32 $0x400, s24;
	_ =	swait.ge [sflag:s19], $0x4000  }
0x6f: {  	s25 =	sshra.s32 s25, $0x2;
	[sflag:s19] =	ssyncset.done $0x0  }
0x70: {  	s26 =	sadd.s32 $0x1400, s25;
	[sflag:s19] =	ssyncadd.s32 $0xFFFFC000  }
0x71: {  	[spmem:s2] =	stream.indirect.scatter.add.f32 [tilespmem:s17], [sflag:$0x3], $0x80, s26, s16, $0xb8;
	[tilespmem:$0x1E800] =	vst v63  }
0x72: {  	_ =	swait.ge [sflag:s14], $0x4000  }
0x73: {  	[sflag:s14] =	ssyncset.done $0x0  }
0x74: {  	s26 =	sadd.s32 $0x100, s25;
	[sflag:s14] =	ssyncadd.s32 $0xFFFFC000  }
0x75: {  	[tilespmem:s17], [sflag:$0x1] =	stream.indirect.gather [hbm4b:s5+s16], $0x80, s26, s16, $0xb8;
	[tilespmem:$0x1E800] =	vst v63  }
0x76: {  	_ =	swait.ge [sflag:s20], $0x4000  }
0x77: {  	[sflag:s20] =	ssyncset.done $0x0  }
.Ltmp1:
0x78: {  	s26 =	sadd.s32 $0x1480, s25;
	[sflag:s20] =	ssyncadd.s32 $0xFFFFC000;
	(pc) =	sbr.rel @p0 .LBB2_4-.Ltmp1, $4  }
0x79: {  	[spmem:s2] =	stream.indirect.scatter.add.f32 [tilespmem:s18], [sflag:$0x3], $0x80, s26, s16, $0xb8;
	[tilespmem:$0x1E800] =	vst v63  }
0x7a: {  	_ =	swait.ge [sflag:s14], $0x4000  }
0x7b: {  	[sflag:s14] =	ssyncset.done $0x0  }
0x7c: {  	s25 =	sadd.s32 $0x180, s25;
	[sflag:s14] =	ssyncadd.s32 $0xFFFFC000  }
0x7d: {  	[tilespmem:s18], [sflag:$0x2] =	stream.indirect.gather [hbm4b:s5+s16], $0x80, s25, s16, $0xb8;
	[tilespmem:$0x1E800] =	vst v63  }
0x7e: {  	_ =	swait.ge [sflag:s19], $0x4000  }
0x7f: {  	[sflag:s19] =	ssyncset.done $0x0  }
0x80: {  	[sflag:s19] =	ssyncadd.s32 $0xFFFFC000  }
0x81: {  	[spmem:s2] =	stream.indirect.scatter.add.f32 [tilespmem:s17], [sflag:$0x3], $0x80, s21, s16, $0xb8;
	[tilespmem:$0x1E800] =	vst v63  }
0x82: {  	_ =	swait.ge [sflag:s14], $0x4000  }
0x83: {  	[sflag:s14] =	ssyncset.done $0x0  }
0x84: {  	[sflag:s14] =	ssyncadd.s32 $0xFFFFC000  }
0x85: {  	_ =	swait.ge [sflag:s20], $0x4000  }
0x86: {  	[sflag:s20] =	ssyncset.done $0x0  }
0x87: {  	[sflag:s20] =	ssyncadd.s32 $0xFFFFC000  }
0x88: {  	[spmem:s2] =	stream.indirect.scatter.add.f32 [tilespmem:s18], [sflag:$0x3], $0x80, s22, s16, $0xb8;
	[tilespmem:$0x1E800] =	vst v63  }
0x89: {  	_ =	swait.ge [sflag:s14], $0x4000  }
0x8a: {  	s23 =	sadd.s32 $0x1, s23;
	[sflag:s14] =	ssyncset.done $0x0  }
0x8b: {  	p0 =	sne.s32 s23, s12;
	[sflag:s14] =	ssyncadd.s32 $0xFFFFC000  }
.Ltmp2:
0x8c: {  	[bflag:$0x0] =	sbarrier.arrive $0xFFFF;
	(pc) =	sbr.rel @p0 .LBB2_1-.Ltmp2, $4  }
0x8d: {  	[hbm:s11], [sflag:s6] =	dma.local [spmem:s13], $0x2800  }
0x8e: {  	_ =	swait.ge [sflag:s14], $0x2800  }
0x8f: {  	[sflag:s14] =	ssyncset.done $0x0  }
0x90: {  	[sflag:s14] =	ssyncadd.s32 $0xFFFFD800  }
0x91: {  	_ =	sfence.sel $0x180000  }
0x92: {  	[bflag:$0x0] =	sbarrier.arrive $0xFFFF  }
0x93: {  	p0 =	sne.s32 s3, $0x0;
	_ =	strace $0x9000004A  }
0x94: {  	s0 =	sadd.s32 @!p0 $0x100000, s0;
	[bflag:$0x2] =	sbarrier.arrive $0xFFFF  }
0x95: {  	[sflag:s0] =	ssyncadd.tile.s32 @!p0 $0x1;
	_ =	shalt  }
.Lfunc_end2:
_tile_overlayer_lowered:
.L_overlay_start_2:
0x96: {  	(tag) =	ssettag $0x2  }
0x97: {  	s0 =	rddreg [dreg:$0x0];
	s2 =	stileid.u32  }
0x98: {  	s1 =	rddreg [dreg:$0x1];
	p0 =	sne.s32 s2, $0x0  }
0x99: {  	s3 =	rddreg [dreg:$0x2];
	[bflag:$0x3] =	sbarrier.arrive $0xFFFF;
	s2 =	simm.s32 @!p0 $0x1C03  }
0x9a: {  	[timem:s3], [sflag:s2] =	dma.local @!p0 [hbm:s0], s1  }
0x9b: {  	s0 =	simm.s32 @!p0 $0x3  }
0x9c: {  	_ =	swait.ge @!p0 [sflag:s0], s1  }
0x9d: {  	s1 =	ssub.s32 @!p0 $0x0, s1;
	[sflag:s0] =	ssyncset.done @!p0 $0x0  }
0x9e: {  	[sflag:s0] =	ssyncadd.s32 @!p0 s1  }
0x9f: {  	[bflag:$0x3] =	sbarrier.arrive $0xFFFF  }
0xa0: {  	_ =	shalt  }

</sc_bundles>
